<compile_context>
chip_gen: v7x
topology: tpu7x:2x2x1
jax: 0.10.2.dev20260603
libtpu: 0.0.44.dev20260713+nightly
codegen_flags: <defaults>
</compile_context>

<pallas_src>
import functools

import jax
import jax.numpy as jnp
from jax import lax
from jax.experimental import pallas as pl
from jax.experimental.pallas import tpu as pltpu
from jax.experimental.pallas import tpu_sc as plsc

_NUM_CORES = 2
_NUM_SUBCORES = 16
_NUM_WORKERS = _NUM_CORES * _NUM_SUBCORES

_CHUNK = 128

_NBUF = 5
_AHEAD = 3


def _make_gather(total, hidden):
  assert total % (_NUM_WORKERS * _CHUNK) == 0
  per_worker = total // _NUM_WORKERS
  chunks = per_worker // _CHUNK
  assert chunks % _NBUF == 0 and chunks >= _NBUF
  groups = chunks // _NBUF

  mesh = plsc.VectorSubcoreMesh(
      core_axis_name="c", subcore_axis_name="s",
      num_cores=_NUM_CORES, num_subcores=_NUM_SUBCORES)

  @functools.partial(
      pl.kernel,
      out_type=jax.ShapeDtypeStruct((total, hidden), jnp.float32),
      mesh=mesh,
      scratch_types=[
          pltpu.VMEM((per_worker,), jnp.int32),
          pltpu.VMEM((_NBUF, _CHUNK, hidden), jnp.float32),
          [pltpu.SemaphoreType.DMA] * _NBUF,
          [pltpu.SemaphoreType.DMA] * _NBUF,
      ],
      compiler_params=pltpu.CompilerParams(use_tc_tiling_on_sc=False),
  )
  def gather_kernel(table_hbm, idx_hbm, out_hbm, idx_v, rows_v, gsems, osems):
    wid = lax.axis_index("s") * _NUM_CORES + lax.axis_index("c")
    base = wid * per_worker

    pltpu.sync_copy(idx_hbm.at[pl.ds(base, per_worker)], idx_v)

    def gather_start(j, buf):
      pltpu.async_copy(table_hbm.at[idx_v.at[pl.ds(j * _CHUNK, _CHUNK)]],
                       rows_v.at[buf], gsems[buf])

    def gather_wait(j, buf):
      pltpu.make_async_copy(table_hbm.at[idx_v.at[pl.ds(j * _CHUNK, _CHUNK)]],
                            rows_v.at[buf], gsems[buf]).wait()

    def out_start(j, buf):
      pltpu.async_copy(rows_v.at[buf],
                       out_hbm.at[pl.ds(base + j * _CHUNK, _CHUNK)],
                       osems[buf])

    def out_wait(buf):
      pltpu.make_async_copy(rows_v.at[buf],
                            out_hbm.at[pl.ds(base, _CHUNK)],
                            osems[buf]).wait()

    for k in range(_AHEAD):
      gather_start(k, k)

    def body(g, _):
      for b in range(_NBUF):
        j = g * _NBUF + b
        nb = (b + _AHEAD) % _NBUF

        @pl.when(j + _AHEAD < chunks)
        def _():
          @pl.when(j + _AHEAD >= _NBUF)
          def _():
            out_wait(nb)
          gather_start(j + _AHEAD, nb)

        gather_wait(j, b)
        out_start(j, b)
      return ()

    lax.fori_loop(0, groups, body, ())

    for c in range(chunks - _NBUF, chunks):
      out_wait(c % _NBUF)

  return gather_kernel


def kernel(inputs, embeddings):
  batch, seq = inputs.shape
  hidden = embeddings.shape[1]
  total = batch * seq
  flat_idx = jnp.reshape(inputs.astype(jnp.int32), (total,))
  out = _make_gather(total, hidden)(embeddings, flat_idx)
  return jnp.reshape(out, (batch, seq, hidden))

# --- scband reference (transcript-rebuilt; emitter-appended) ---
"""Pipeline reference for scband-on-device-embedding-69922067579141 (READ-ONLY COPY).

The authoritative reference and input builder live on the scoring server;
editing this copy changes nothing except your own understanding.
"""

import jax, jax.numpy as jnp
import numpy as np

VOCAB_SIZE = 1000000
HIDDEN_SIZE = 64


def setup_inputs(seed: int = 0) -> dict:
    key = jax.random.key(seed)
    k_idx, k_emb = jax.random.split(key)
    inputs = jax.random.randint(k_idx, (4096, 50), 0, VOCAB_SIZE, dtype=jnp.int64 if jax.config.jax_enable_x64 else jnp.int32)
    # glorot_uniform init for embeddings [vocab, hidden]
    limit = np.sqrt(6.0 / (VOCAB_SIZE + HIDDEN_SIZE))
    embeddings = jax.random.uniform(k_emb, (VOCAB_SIZE, HIDDEN_SIZE), minval=-limit, maxval=limit, dtype=jnp.float32)
    return {"inputs": inputs, "embeddings": embeddings}


def reference(inputs, embeddings):
    # Faithful translation of OnDeviceEmbedding.call with use_one_hot=False
    flat_inputs = jnp.reshape(inputs, [-1])
    gathered = jnp.take(embeddings, flat_inputs, axis=0)
    out = jnp.reshape(gathered, inputs.shape + (embeddings.shape[1],))
    return out

if __name__ == "__main__":
    import jax
    _d = setup_inputs()
    print(jax.jit(kernel)(*tuple(_d.values())))

</pallas_src>

<mosaic_0001>
#map = affine_map<(d0, d1) -> (0, 0)>
#map1 = affine_map<(d0, d1) -> (0)>
module attributes {stable_mosaic.version = 14 : i64} {
  func.func @gather_kernel(%arg0: i32, %arg1: i32, %arg2: memref<1000000x64xf32, #tpu.memory_space<hbm>>, %arg3: memref<204800xi32, #tpu.memory_space<hbm>>, %arg4: memref<204800x64xf32, #tpu.memory_space<hbm>>, %arg5: memref<6400xi32, #tpu.memory_space<vmem>>, %arg6: memref<5x128x64xf32, #tpu.memory_space<vmem>>, %arg7: memref<!tpu.dma_semaphore, #tpu.memory_space<semaphore_mem>>, %arg8: memref<!tpu.dma_semaphore, #tpu.memory_space<semaphore_mem>>, %arg9: memref<!tpu.dma_semaphore, #tpu.memory_space<semaphore_mem>>, %arg10: memref<!tpu.dma_semaphore, #tpu.memory_space<semaphore_mem>>, %arg11: memref<!tpu.dma_semaphore, #tpu.memory_space<semaphore_mem>>, %arg12: memref<!tpu.dma_semaphore, #tpu.memory_space<semaphore_mem>>, %arg13: memref<!tpu.dma_semaphore, #tpu.memory_space<semaphore_mem>>, %arg14: memref<!tpu.dma_semaphore, #tpu.memory_space<semaphore_mem>>, %arg15: memref<!tpu.dma_semaphore, #tpu.memory_space<semaphore_mem>>, %arg16: memref<!tpu.dma_semaphore, #tpu.memory_space<semaphore_mem>>) attributes {dimension_semantics = [#tpu.dimension_semantics<core_parallel>, #tpu.dimension_semantics<subcore_parallel>], iteration_bounds = array<i64: 2, 16>, scalar_prefetch = 0 : i64, scratch_operands = 12 : i64, tpu.core_type = #tpu.core_type<sc_vector_subcore>, window_params = [{transform_indices = #map}, {transform_indices = #map1}, {transform_indices = #map}]} {
    %mul3A = arith.constant 2 : i32
    %mul3A_0 = arith.muli %arg1, %mul3A : i32
    %add3A = arith.addi %mul3A_0, %arg0 : i32
    %mul3A_1 = arith.constant 6400 : i32
    %mul3A_2 = arith.muli %add3A, %mul3A_1 : i32
    "tpu.region"() ({
      %run_scoped3A = tpu.sem_alloc : memref<!tpu.dma_semaphore, #tpu.memory_space<semaphore_mem>>
      %dma_start3A_100 = tpu.memref_slice %arg3[%mul3A_2] : memref<204800xi32, #tpu.memory_space<hbm>> -> memref<6400xi32, #tpu.memory_space<hbm>>
      %dma_start3A_101 = tpu.memref_slice %arg3[%mul3A_2] : memref<204800xi32, #tpu.memory_space<hbm>> -> memref<6400xi32, #tpu.memory_space<hbm>>
      tpu.enqueue_dma source(%dma_start3A_101 : memref<6400xi32, #tpu.memory_space<hbm>>) target(%arg5 : memref<6400xi32, #tpu.memory_space<vmem>>) target_semaphore(%run_scoped3A : memref<!tpu.dma_semaphore, #tpu.memory_space<semaphore_mem>>)
      %dma_wait3A_102 = tpu.memref_slice %arg3[%mul3A_2] : memref<204800xi32, #tpu.memory_space<hbm>> -> memref<6400xi32, #tpu.memory_space<hbm>>
      %dma_wait3A_103 = tpu.memref_slice %arg3[%mul3A_2] : memref<204800xi32, #tpu.memory_space<hbm>> -> memref<6400xi32, #tpu.memory_space<hbm>>
      tpu.wait_dma2 semaphore(%run_scoped3A : memref<!tpu.dma_semaphore, #tpu.memory_space<semaphore_mem>>) src(%dma_wait3A_103 : memref<6400xi32, #tpu.memory_space<hbm>>) dst(%arg5 : memref<6400xi32, #tpu.memory_space<vmem>>)
      tpu.yield
    }) : () -> ()
    %dma_start3A = arith.constant 0 : i32
    %dma_start3A_3 = arith.constant 0 : i32
    %dma_start3A_4 = arith.constant 0 : i32
    %dma_start3A_5 = tpu.memref_slice %arg6[%dma_start3A, %dma_start3A_3, %dma_start3A_4] : memref<5x128x64xf32, #tpu.memory_space<vmem>> -> memref<1x128x64xf32, #tpu.memory_space<vmem>>
    %dma_start3A_6 = tpu.memref_squeeze %dma_start3A_5 : memref<1x128x64xf32, #tpu.memory_space<vmem>> -> memref<128x64xf32, #tpu.memory_space<vmem>>
    %dma_start3A_7 = arith.constant 0 : i32
    %dma_start3A_8 = tpu.memref_slice %arg5[%dma_start3A_7] : memref<6400xi32, #tpu.memory_space<vmem>> -> memref<128xi32, #tpu.memory_space<vmem>>
    %dma_start3A_9 = arith.constant 0 : i32
    %dma_start3A_10 = arith.constant 0 : i32
    %dma_start3A_11 = tpu.memref_slice %arg2[%dma_start3A_9, %dma_start3A_10] : memref<1000000x64xf32, #tpu.memory_space<hbm>> -> memref<1000000x64xf32, #tpu.memory_space<hbm>>
    tpu.enqueue_indirect_dma source(%dma_start3A_11 : memref<1000000x64xf32, #tpu.memory_space<hbm>>) target(%dma_start3A_6 : memref<128x64xf32, #tpu.memory_space<vmem>>) offsets(%dma_start3A_8 : memref<128xi32, #tpu.memory_space<vmem>>) semaphore(%arg7 : memref<!tpu.dma_semaphore, #tpu.memory_space<semaphore_mem>>)
    %dma_start3A_12 = arith.constant 1 : i32
    %dma_start3A_13 = arith.constant 0 : i32
    %dma_start3A_14 = arith.constant 0 : i32
    %dma_start3A_15 = tpu.memref_slice %arg6[%dma_start3A_12, %dma_start3A_13, %dma_start3A_14] : memref<5x128x64xf32, #tpu.memory_space<vmem>> -> memref<1x128x64xf32, #tpu.memory_space<vmem>>
    %dma_start3A_16 = tpu.memref_squeeze %dma_start3A_15 : memref<1x128x64xf32, #tpu.memory_space<vmem>> -> memref<128x64xf32, #tpu.memory_space<vmem>>
    %dma_start3A_17 = arith.constant 128 : i32
    %dma_start3A_18 = tpu.memref_slice %arg5[%dma_start3A_17] : memref<6400xi32, #tpu.memory_space<vmem>> -> memref<128xi32, #tpu.memory_space<vmem>>
    %dma_start3A_19 = arith.constant 0 : i32
    %dma_start3A_20 = arith.constant 0 : i32
    %dma_start3A_21 = tpu.memref_slice %arg2[%dma_start3A_19, %dma_start3A_20] : memref<1000000x64xf32, #tpu.memory_space<hbm>> -> memref<1000000x64xf32, #tpu.memory_space<hbm>>
    tpu.enqueue_indirect_dma source(%dma_start3A_21 : memref<1000000x64xf32, #tpu.memory_space<hbm>>) target(%dma_start3A_16 : memref<128x64xf32, #tpu.memory_space<vmem>>) offsets(%dma_start3A_18 : memref<128xi32, #tpu.memory_space<vmem>>) semaphore(%arg8 : memref<!tpu.dma_semaphore, #tpu.memory_space<semaphore_mem>>)
    %dma_start3A_22 = arith.constant 2 : i32
    %dma_start3A_23 = arith.constant 0 : i32
    %dma_start3A_24 = arith.constant 0 : i32
    %dma_start3A_25 = tpu.memref_slice %arg6[%dma_start3A_22, %dma_start3A_23, %dma_start3A_24] : memref<5x128x64xf32, #tpu.memory_space<vmem>> -> memref<1x128x64xf32, #tpu.memory_space<vmem>>
    %dma_start3A_26 = tpu.memref_squeeze %dma_start3A_25 : memref<1x128x64xf32, #tpu.memory_space<vmem>> -> memref<128x64xf32, #tpu.memory_space<vmem>>
    %dma_start3A_27 = arith.constant 256 : i32
    %dma_start3A_28 = tpu.memref_slice %arg5[%dma_start3A_27] : memref<6400xi32, #tpu.memory_space<vmem>> -> memref<128xi32, #tpu.memory_space<vmem>>
    %dma_start3A_29 = arith.constant 0 : i32
    %dma_start3A_30 = arith.constant 0 : i32
    %dma_start3A_31 = tpu.memref_slice %arg2[%dma_start3A_29, %dma_start3A_30] : memref<1000000x64xf32, #tpu.memory_space<hbm>> -> memref<1000000x64xf32, #tpu.memory_space<hbm>>
    tpu.enqueue_indirect_dma source(%dma_start3A_31 : memref<1000000x64xf32, #tpu.memory_space<hbm>>) target(%dma_start3A_26 : memref<128x64xf32, #tpu.memory_space<vmem>>) offsets(%dma_start3A_28 : memref<128xi32, #tpu.memory_space<vmem>>) semaphore(%arg9 : memref<!tpu.dma_semaphore, #tpu.memory_space<semaphore_mem>>)
    %scan3A = arith.constant 0 : i32
    %scan3A_32 = arith.constant 10 : i32
    %scan3A_33 = arith.addi %scan3A, %scan3A_32 : i32
    %scan3A_34 = arith.constant 1 : i32
    scf.for %scan3A_100 = %scan3A to %scan3A_33 step %scan3A_34  : i32 {
      %mul3A_101 = arith.constant 5 : i32
      %mul3A_102 = arith.muli %scan3A_100, %mul3A_101 : i32
      %add3A_103 = arith.constant 0 : i32
      %add3A_104 = arith.addi %mul3A_102, %add3A_103 : i32
      %add3A_105 = arith.constant 3 : i32
      %add3A_106 = arith.addi %add3A_104, %add3A_105 : i32
      %lt3A = arith.constant 50 : i32
      %lt3A_107 = arith.cmpi slt, %add3A_106, %lt3A : i32
      %convert_element_type3A = arith.extui %lt3A_107 : i1 to i32
      %cond3A = arith.constant 0 : i32
      %cond3A_108 = arith.cmpi ne, %convert_element_type3A, %cond3A : i32
      scf.if %cond3A_108 {
        %add3A_288 = arith.constant 3 : i32
        %add3A_289 = arith.addi %add3A_104, %add3A_288 : i32
        %ge3A = arith.constant 5 : i32
        %ge3A_290 = arith.cmpi sge, %add3A_289, %ge3A : i32
        %convert_element_type3A_291 = arith.extui %ge3A_290 : i1 to i32
        %cond3A_292 = arith.constant 0 : i32
        %cond3A_293 = arith.cmpi ne, %convert_element_type3A_291, %cond3A_292 : i32
        scf.if %cond3A_293 {
          %dma_wait3A_307 = arith.constant 3 : i32
          %dma_wait3A_308 = arith.constant 0 : i32
          %dma_wait3A_309 = arith.constant 0 : i32
          %dma_wait3A_310 = tpu.memref_slice %arg6[%dma_wait3A_307, %dma_wait3A_308, %dma_wait3A_309] : memref<5x128x64xf32, #tpu.memory_space<vmem>> -> memref<1x128x64xf32, #tpu.memory_space<vmem>>
          %dma_wait3A_311 = tpu.memref_squeeze %dma_wait3A_310 : memref<1x128x64xf32, #tpu.memory_space<vmem>> -> memref<128x64xf32, #tpu.memory_space<vmem>>
          %dma_wait3A_312 = arith.constant 0 : i32
          %dma_wait3A_313 = tpu.memref_slice %arg4[%mul3A_2, %dma_wait3A_312] : memref<204800x64xf32, #tpu.memory_space<hbm>> -> memref<128x64xf32, #tpu.memory_space<hbm>>
          %dma_wait3A_314 = arith.constant 0 : i32
          %dma_wait3A_315 = tpu.memref_slice %arg4[%mul3A_2, %dma_wait3A_314] : memref<204800x64xf32, #tpu.memory_space<hbm>> -> memref<128x64xf32, #tpu.memory_space<hbm>>
          %dma_wait3A_316 = arith.constant 0 : i32
          %dma_wait3A_317 = arith.constant 0 : i32
          %dma_wait3A_318 = tpu.memref_slice %arg6[%dma_wait3A_307, %dma_wait3A_316, %dma_wait3A_317] : memref<5x128x64xf32, #tpu.memory_space<vmem>> -> memref<1x128x64xf32, #tpu.memory_space<vmem>>
          %dma_wait3A_319 = tpu.memref_squeeze %dma_wait3A_318 : memref<1x128x64xf32, #tpu.memory_space<vmem>> -> memref<128x64xf32, #tpu.memory_space<vmem>>
          tpu.wait_dma2 semaphore(%arg15 : memref<!tpu.dma_semaphore, #tpu.memory_space<semaphore_mem>>) src(%dma_wait3A_319 : memref<128x64xf32, #tpu.memory_space<vmem>>) dst(%dma_wait3A_315 : memref<128x64xf32, #tpu.memory_space<hbm>>)
        } else {
        }
        %add3A_294 = arith.constant 3 : i32
        %add3A_295 = arith.addi %add3A_104, %add3A_294 : i32
        %mul3A_296 = arith.constant 128 : i32
        %mul3A_297 = arith.muli %add3A_295, %mul3A_296 : i32
        %dma_start3A_298 = arith.constant 3 : i32
        %dma_start3A_299 = arith.constant 0 : i32
        %dma_start3A_300 = arith.constant 0 : i32
        %dma_start3A_301 = tpu.memref_slice %arg6[%dma_start3A_298, %dma_start3A_299, %dma_start3A_300] : memref<5x128x64xf32, #tpu.memory_space<vmem>> -> memref<1x128x64xf32, #tpu.memory_space<vmem>>
        %dma_start3A_302 = tpu.memref_squeeze %dma_start3A_301 : memref<1x128x64xf32, #tpu.memory_space<vmem>> -> memref<128x64xf32, #tpu.memory_space<vmem>>
        %dma_start3A_303 = tpu.memref_slice %arg5[%mul3A_297] : memref<6400xi32, #tpu.memory_space<vmem>> -> memref<128xi32, #tpu.memory_space<vmem>>
        %dma_start3A_304 = arith.constant 0 : i32
        %dma_start3A_305 = arith.constant 0 : i32
        %dma_start3A_306 = tpu.memref_slice %arg2[%dma_start3A_304, %dma_start3A_305] : memref<1000000x64xf32, #tpu.memory_space<hbm>> -> memref<1000000x64xf32, #tpu.memory_space<hbm>>
        tpu.enqueue_indirect_dma source(%dma_start3A_306 : memref<1000000x64xf32, #tpu.memory_space<hbm>>) target(%dma_start3A_302 : memref<128x64xf32, #tpu.memory_space<vmem>>) offsets(%dma_start3A_303 : memref<128xi32, #tpu.memory_space<vmem>>) semaphore(%arg10 : memref<!tpu.dma_semaphore, #tpu.memory_space<semaphore_mem>>)
      } else {
      }
      %mul3A_109 = arith.constant 128 : i32
      %mul3A_110 = arith.muli %add3A_104, %mul3A_109 : i32
      %dma_wait3A_111 = arith.constant 0 : i32
      %dma_wait3A_112 = arith.constant 0 : i32
      %dma_wait3A_113 = arith.constant 0 : i32
      %dma_wait3A_114 = tpu.memref_slice %arg6[%dma_wait3A_111, %dma_wait3A_112, %dma_wait3A_113] : memref<5x128x64xf32, #tpu.memory_space<vmem>> -> memref<1x128x64xf32, #tpu.memory_space<vmem>>
      %dma_wait3A_115 = tpu.memref_squeeze %dma_wait3A_114 : memref<1x128x64xf32, #tpu.memory_space<vmem>> -> memref<128x64xf32, #tpu.memory_space<vmem>>
      %dma_wait3A_116 = tpu.memref_slice %arg5[%mul3A_110] : memref<6400xi32, #tpu.memory_space<vmem>> -> memref<128xi32, #tpu.memory_space<vmem>>
      %dma_wait3A_117 = arith.constant 0 : i32
      %dma_wait3A_118 = arith.constant 0 : i32
      %dma_wait3A_119 = tpu.memref_slice %arg2[%dma_wait3A_117, %dma_wait3A_118] : memref<1000000x64xf32, #tpu.memory_space<hbm>> -> memref<1000000x64xf32, #tpu.memory_space<hbm>>
      tpu.wait_indirect_dma semaphore(%arg7 : memref<!tpu.dma_semaphore, #tpu.memory_space<semaphore_mem>>) src(%dma_wait3A_119 : memref<1000000x64xf32, #tpu.memory_space<hbm>>) dst(%dma_wait3A_115 : memref<128x64xf32, #tpu.memory_space<vmem>>)
      %mul3A_120 = arith.constant 128 : i32
      %mul3A_121 = arith.muli %add3A_104, %mul3A_120 : i32
      %add3A_122 = arith.addi %mul3A_2, %mul3A_121 : i32
      %dma_start3A_123 = arith.constant 0 : i32
      %dma_start3A_124 = arith.constant 0 : i32
      %dma_start3A_125 = arith.constant 0 : i32
      %dma_start3A_126 = tpu.memref_slice %arg6[%dma_start3A_123, %dma_start3A_124, %dma_start3A_125] : memref<5x128x64xf32, #tpu.memory_space<vmem>> -> memref<1x128x64xf32, #tpu.memory_space<vmem>>
      %dma_start3A_127 = tpu.memref_squeeze %dma_start3A_126 : memref<1x128x64xf32, #tpu.memory_space<vmem>> -> memref<128x64xf32, #tpu.memory_space<vmem>>
      %dma_start3A_128 = arith.constant 0 : i32
      %dma_start3A_129 = tpu.memref_slice %arg4[%add3A_122, %dma_start3A_128] : memref<204800x64xf32, #tpu.memory_space<hbm>> -> memref<128x64xf32, #tpu.memory_space<hbm>>
      %dma_start3A_130 = arith.constant 0 : i32
      %dma_start3A_131 = tpu.memref_slice %arg4[%add3A_122, %dma_start3A_130] : memref<204800x64xf32, #tpu.memory_space<hbm>> -> memref<128x64xf32, #tpu.memory_space<hbm>>
      %dma_start3A_132 = arith.constant 0 : i32
      %dma_start3A_133 = arith.constant 0 : i32
      %dma_start3A_134 = tpu.memref_slice %arg6[%dma_start3A_123, %dma_start3A_132, %dma_start3A_133] : memref<5x128x64xf32, #tpu.memory_space<vmem>> -> memref<1x128x64xf32, #tpu.memory_space<vmem>>
      %dma_start3A_135 = tpu.memref_squeeze %dma_start3A_134 : memref<1x128x64xf32, #tpu.memory_space<vmem>> -> memref<128x64xf32, #tpu.memory_space<vmem>>
      tpu.enqueue_dma source(%dma_start3A_135 : memref<128x64xf32, #tpu.memory_space<vmem>>) target(%dma_start3A_131 : memref<128x64xf32, #tpu.memory_space<hbm>>) target_semaphore(%arg12 : memref<!tpu.dma_semaphore, #tpu.memory_space<semaphore_mem>>)
      %mul3A_136 = arith.constant 5 : i32
      %mul3A_137 = arith.muli %scan3A_100, %mul3A_136 : i32
      %add3A_138 = arith.constant 1 : i32
      %add3A_139 = arith.addi %mul3A_137, %add3A_138 : i32
      %add3A_140 = arith.constant 3 : i32
      %add3A_141 = arith.addi %add3A_139, %add3A_140 : i32
      %lt3A_142 = arith.constant 50 : i32
      %lt3A_143 = arith.cmpi slt, %add3A_141, %lt3A_142 : i32
      %convert_element_type3A_144 = arith.extui %lt3A_143 : i1 to i32
      %cond3A_145 = arith.constant 0 : i32
      %cond3A_146 = arith.cmpi ne, %convert_element_type3A_144, %cond3A_145 : i32
      scf.if %cond3A_146 {
        %add3A_288 = arith.constant 3 : i32
        %add3A_289 = arith.addi %add3A_139, %add3A_288 : i32
        %ge3A = arith.constant 5 : i32
        %ge3A_290 = arith.cmpi sge, %add3A_289, %ge3A : i32
        %convert_element_type3A_291 = arith.extui %ge3A_290 : i1 to i32
        %cond3A_292 = arith.constant 0 : i32
        %cond3A_293 = arith.cmpi ne, %convert_element_type3A_291, %cond3A_292 : i32
        scf.if %cond3A_293 {
          %dma_wait3A_307 = arith.constant 4 : i32
          %dma_wait3A_308 = arith.constant 0 : i32
          %dma_wait3A_309 = arith.constant 0 : i32
          %dma_wait3A_310 = tpu.memref_slice %arg6[%dma_wait3A_307, %dma_wait3A_308, %dma_wait3A_309] : memref<5x128x64xf32, #tpu.memory_space<vmem>> -> memref<1x128x64xf32, #tpu.memory_space<vmem>>
          %dma_wait3A_311 = tpu.memref_squeeze %dma_wait3A_310 : memref<1x128x64xf32, #tpu.memory_space<vmem>> -> memref<128x64xf32, #tpu.memory_space<vmem>>
          %dma_wait3A_312 = arith.constant 0 : i32
          %dma_wait3A_313 = tpu.memref_slice %arg4[%mul3A_2, %dma_wait3A_312] : memref<204800x64xf32, #tpu.memory_space<hbm>> -> memref<128x64xf32, #tpu.memory_space<hbm>>
          %dma_wait3A_314 = arith.constant 0 : i32
          %dma_wait3A_315 = tpu.memref_slice %arg4[%mul3A_2, %dma_wait3A_314] : memref<204800x64xf32, #tpu.memory_space<hbm>> -> memref<128x64xf32, #tpu.memory_space<hbm>>
          %dma_wait3A_316 = arith.constant 0 : i32
          %dma_wait3A_317 = arith.constant 0 : i32
          %dma_wait3A_318 = tpu.memref_slice %arg6[%dma_wait3A_307, %dma_wait3A_316, %dma_wait3A_317] : memref<5x128x64xf32, #tpu.memory_space<vmem>> -> memref<1x128x64xf32, #tpu.memory_space<vmem>>
          %dma_wait3A_319 = tpu.memref_squeeze %dma_wait3A_318 : memref<1x128x64xf32, #tpu.memory_space<vmem>> -> memref<128x64xf32, #tpu.memory_space<vmem>>
          tpu.wait_dma2 semaphore(%arg16 : memref<!tpu.dma_semaphore, #tpu.memory_space<semaphore_mem>>) src(%dma_wait3A_319 : memref<128x64xf32, #tpu.memory_space<vmem>>) dst(%dma_wait3A_315 : memref<128x64xf32, #tpu.memory_space<hbm>>)
        } else {
        }
        %add3A_294 = arith.constant 3 : i32
        %add3A_295 = arith.addi %add3A_139, %add3A_294 : i32
        %mul3A_296 = arith.constant 128 : i32
        %mul3A_297 = arith.muli %add3A_295, %mul3A_296 : i32
        %dma_start3A_298 = arith.constant 4 : i32
        %dma_start3A_299 = arith.constant 0 : i32
        %dma_start3A_300 = arith.constant 0 : i32
        %dma_start3A_301 = tpu.memref_slice %arg6[%dma_start3A_298, %dma_start3A_299, %dma_start3A_300] : memref<5x128x64xf32, #tpu.memory_space<vmem>> -> memref<1x128x64xf32, #tpu.memory_space<vmem>>
        %dma_start3A_302 = tpu.memref_squeeze %dma_start3A_301 : memref<1x128x64xf32, #tpu.memory_space<vmem>> -> memref<128x64xf32, #tpu.memory_space<vmem>>
        %dma_start3A_303 = tpu.memref_slice %arg5[%mul3A_297] : memref<6400xi32, #tpu.memory_space<vmem>> -> memref<128xi32, #tpu.memory_space<vmem>>
        %dma_start3A_304 = arith.constant 0 : i32
        %dma_start3A_305 = arith.constant 0 : i32
        %dma_start3A_306 = tpu.memref_slice %arg2[%dma_start3A_304, %dma_start3A_305] : memref<1000000x64xf32, #tpu.memory_space<hbm>> -> memref<1000000x64xf32, #tpu.memory_space<hbm>>
        tpu.enqueue_indirect_dma source(%dma_start3A_306 : memref<1000000x64xf32, #tpu.memory_space<hbm>>) target(%dma_start3A_302 : memref<128x64xf32, #tpu.memory_space<vmem>>) offsets(%dma_start3A_303 : memref<128xi32, #tpu.memory_space<vmem>>) semaphore(%arg11 : memref<!tpu.dma_semaphore, #tpu.memory_space<semaphore_mem>>)
      } else {
      }
      %mul3A_147 = arith.constant 128 : i32
      %mul3A_148 = arith.muli %add3A_139, %mul3A_147 : i32
      %dma_wait3A_149 = arith.constant 1 : i32
      %dma_wait3A_150 = arith.constant 0 : i32
      %dma_wait3A_151 = arith.constant 0 : i32
      %dma_wait3A_152 = tpu.memref_slice %arg6[%dma_wait3A_149, %dma_wait3A_150, %dma_wait3A_151] : memref<5x128x64xf32, #tpu.memory_space<vmem>> -> memref<1x128x64xf32, #tpu.memory_space<vmem>>
      %dma_wait3A_153 = tpu.memref_squeeze %dma_wait3A_152 : memref<1x128x64xf32, #tpu.memory_space<vmem>> -> memref<128x64xf32, #tpu.memory_space<vmem>>
      %dma_wait3A_154 = tpu.memref_slice %arg5[%mul3A_148] : memref<6400xi32, #tpu.memory_space<vmem>> -> memref<128xi32, #tpu.memory_space<vmem>>
      %dma_wait3A_155 = arith.constant 0 : i32
      %dma_wait3A_156 = arith.constant 0 : i32
      %dma_wait3A_157 = tpu.memref_slice %arg2[%dma_wait3A_155, %dma_wait3A_156] : memref<1000000x64xf32, #tpu.memory_space<hbm>> -> memref<1000000x64xf32, #tpu.memory_space<hbm>>
      tpu.wait_indirect_dma semaphore(%arg8 : memref<!tpu.dma_semaphore, #tpu.memory_space<semaphore_mem>>) src(%dma_wait3A_157 : memref<1000000x64xf32, #tpu.memory_space<hbm>>) dst(%dma_wait3A_153 : memref<128x64xf32, #tpu.memory_space<vmem>>)
      %mul3A_158 = arith.constant 128 : i32
      %mul3A_159 = arith.muli %add3A_139, %mul3A_158 : i32
      %add3A_160 = arith.addi %mul3A_2, %mul3A_159 : i32
      %dma_start3A_161 = arith.constant 1 : i32
      %dma_start3A_162 = arith.constant 0 : i32
      %dma_start3A_163 = arith.constant 0 : i32
      %dma_start3A_164 = tpu.memref_slice %arg6[%dma_start3A_161, %dma_start3A_162, %dma_start3A_163] : memref<5x128x64xf32, #tpu.memory_space<vmem>> -> memref<1x128x64xf32, #tpu.memory_space<vmem>>
      %dma_start3A_165 = tpu.memref_squeeze %dma_start3A_164 : memref<1x128x64xf32, #tpu.memory_space<vmem>> -> memref<128x64xf32, #tpu.memory_space<vmem>>
      %dma_start3A_166 = arith.constant 0 : i32
      %dma_start3A_167 = tpu.memref_slice %arg4[%add3A_160, %dma_start3A_166] : memref<204800x64xf32, #tpu.memory_space<hbm>> -> memref<128x64xf32, #tpu.memory_space<hbm>>
      %dma_start3A_168 = arith.constant 0 : i32
      %dma_start3A_169 = tpu.memref_slice %arg4[%add3A_160, %dma_start3A_168] : memref<204800x64xf32, #tpu.memory_space<hbm>> -> memref<128x64xf32, #tpu.memory_space<hbm>>
      %dma_start3A_170 = arith.constant 0 : i32
      %dma_start3A_171 = arith.constant 0 : i32
      %dma_start3A_172 = tpu.memref_slice %arg6[%dma_start3A_161, %dma_start3A_170, %dma_start3A_171] : memref<5x128x64xf32, #tpu.memory_space<vmem>> -> memref<1x128x64xf32, #tpu.memory_space<vmem>>
      %dma_start3A_173 = tpu.memref_squeeze %dma_start3A_172 : memref<1x128x64xf32, #tpu.memory_space<vmem>> -> memref<128x64xf32, #tpu.memory_space<vmem>>
      tpu.enqueue_dma source(%dma_start3A_173 : memref<128x64xf32, #tpu.memory_space<vmem>>) target(%dma_start3A_169 : memref<128x64xf32, #tpu.memory_space<hbm>>) target_semaphore(%arg13 : memref<!tpu.dma_semaphore, #tpu.memory_space<semaphore_mem>>)
      %mul3A_174 = arith.constant 5 : i32
      %mul3A_175 = arith.muli %scan3A_100, %mul3A_174 : i32
      %add3A_176 = arith.constant 2 : i32
      %add3A_177 = arith.addi %mul3A_175, %add3A_176 : i32
      %add3A_178 = arith.constant 3 : i32
      %add3A_179 = arith.addi %add3A_177, %add3A_178 : i32
      %lt3A_180 = arith.constant 50 : i32
      %lt3A_181 = arith.cmpi slt, %add3A_179, %lt3A_180 : i32
      %convert_element_type3A_182 = arith.extui %lt3A_181 : i1 to i32
      %cond3A_183 = arith.constant 0 : i32
      %cond3A_184 = arith.cmpi ne, %convert_element_type3A_182, %cond3A_183 : i32
      scf.if %cond3A_184 {
        %add3A_288 = arith.constant 3 : i32
        %add3A_289 = arith.addi %add3A_177, %add3A_288 : i32
        %ge3A = arith.constant 5 : i32
        %ge3A_290 = arith.cmpi sge, %add3A_289, %ge3A : i32
        %convert_element_type3A_291 = arith.extui %ge3A_290 : i1 to i32
        %cond3A_292 = arith.constant 0 : i32
        %cond3A_293 = arith.cmpi ne, %convert_element_type3A_291, %cond3A_292 : i32
        scf.if %cond3A_293 {
          %dma_wait3A_307 = arith.constant 0 : i32
          %dma_wait3A_308 = arith.constant 0 : i32
          %dma_wait3A_309 = arith.constant 0 : i32
          %dma_wait3A_310 = tpu.memref_slice %arg6[%dma_wait3A_307, %dma_wait3A_308, %dma_wait3A_309] : memref<5x128x64xf32, #tpu.memory_space<vmem>> -> memref<1x128x64xf32, #tpu.memory_space<vmem>>
          %dma_wait3A_311 = tpu.memref_squeeze %dma_wait3A_310 : memref<1x128x64xf32, #tpu.memory_space<vmem>> -> memref<128x64xf32, #tpu.memory_space<vmem>>
          %dma_wait3A_312 = arith.constant 0 : i32
          %dma_wait3A_313 = tpu.memref_slice %arg4[%mul3A_2, %dma_wait3A_312] : memref<204800x64xf32, #tpu.memory_space<hbm>> -> memref<128x64xf32, #tpu.memory_space<hbm>>
          %dma_wait3A_314 = arith.constant 0 : i32
          %dma_wait3A_315 = tpu.memref_slice %arg4[%mul3A_2, %dma_wait3A_314] : memref<204800x64xf32, #tpu.memory_space<hbm>> -> memref<128x64xf32, #tpu.memory_space<hbm>>
          %dma_wait3A_316 = arith.constant 0 : i32
          %dma_wait3A_317 = arith.constant 0 : i32
          %dma_wait3A_318 = tpu.memref_slice %arg6[%dma_wait3A_307, %dma_wait3A_316, %dma_wait3A_317] : memref<5x128x64xf32, #tpu.memory_space<vmem>> -> memref<1x128x64xf32, #tpu.memory_space<vmem>>
          %dma_wait3A_319 = tpu.memref_squeeze %dma_wait3A_318 : memref<1x128x64xf32, #tpu.memory_space<vmem>> -> memref<128x64xf32, #tpu.memory_space<vmem>>
          tpu.wait_dma2 semaphore(%arg12 : memref<!tpu.dma_semaphore, #tpu.memory_space<semaphore_mem>>) src(%dma_wait3A_319 : memref<128x64xf32, #tpu.memory_space<vmem>>) dst(%dma_wait3A_315 : memref<128x64xf32, #tpu.memory_space<hbm>>)
        } else {
        }
        %add3A_294 = arith.constant 3 : i32
        %add3A_295 = arith.addi %add3A_177, %add3A_294 : i32
        %mul3A_296 = arith.constant 128 : i32
        %mul3A_297 = arith.muli %add3A_295, %mul3A_296 : i32
        %dma_start3A_298 = arith.constant 0 : i32
        %dma_start3A_299 = arith.constant 0 : i32
        %dma_start3A_300 = arith.constant 0 : i32
        %dma_start3A_301 = tpu.memref_slice %arg6[%dma_start3A_298, %dma_start3A_299, %dma_start3A_300] : memref<5x128x64xf32, #tpu.memory_space<vmem>> -> memref<1x128x64xf32, #tpu.memory_space<vmem>>
        %dma_start3A_302 = tpu.memref_squeeze %dma_start3A_301 : memref<1x128x64xf32, #tpu.memory_space<vmem>> -> memref<128x64xf32, #tpu.memory_space<vmem>>
        %dma_start3A_303 = tpu.memref_slice %arg5[%mul3A_297] : memref<6400xi32, #tpu.memory_space<vmem>> -> memref<128xi32, #tpu.memory_space<vmem>>
        %dma_start3A_304 = arith.constant 0 : i32
        %dma_start3A_305 = arith.constant 0 : i32
        %dma_start3A_306 = tpu.memref_slice %arg2[%dma_start3A_304, %dma_start3A_305] : memref<1000000x64xf32, #tpu.memory_space<hbm>> -> memref<1000000x64xf32, #tpu.memory_space<hbm>>
        tpu.enqueue_indirect_dma source(%dma_start3A_306 : memref<1000000x64xf32, #tpu.memory_space<hbm>>) target(%dma_start3A_302 : memref<128x64xf32, #tpu.memory_space<vmem>>) offsets(%dma_start3A_303 : memref<128xi32, #tpu.memory_space<vmem>>) semaphore(%arg7 : memref<!tpu.dma_semaphore, #tpu.memory_space<semaphore_mem>>)
      } else {
      }
      %mul3A_185 = arith.constant 128 : i32
      %mul3A_186 = arith.muli %add3A_177, %mul3A_185 : i32
      %dma_wait3A_187 = arith.constant 2 : i32
      %dma_wait3A_188 = arith.constant 0 : i32
      %dma_wait3A_189 = arith.constant 0 : i32
      %dma_wait3A_190 = tpu.memref_slice %arg6[%dma_wait3A_187, %dma_wait3A_188, %dma_wait3A_189] : memref<5x128x64xf32, #tpu.memory_space<vmem>> -> memref<1x128x64xf32, #tpu.memory_space<vmem>>
      %dma_wait3A_191 = tpu.memref_squeeze %dma_wait3A_190 : memref<1x128x64xf32, #tpu.memory_space<vmem>> -> memref<128x64xf32, #tpu.memory_space<vmem>>
      %dma_wait3A_192 = tpu.memref_slice %arg5[%mul3A_186] : memref<6400xi32, #tpu.memory_space<vmem>> -> memref<128xi32, #tpu.memory_space<vmem>>
      %dma_wait3A_193 = arith.constant 0 : i32
      %dma_wait3A_194 = arith.constant 0 : i32
      %dma_wait3A_195 = tpu.memref_slice %arg2[%dma_wait3A_193, %dma_wait3A_194] : memref<1000000x64xf32, #tpu.memory_space<hbm>> -> memref<1000000x64xf32, #tpu.memory_space<hbm>>
      tpu.wait_indirect_dma semaphore(%arg9 : memref<!tpu.dma_semaphore, #tpu.memory_space<semaphore_mem>>) src(%dma_wait3A_195 : memref<1000000x64xf32, #tpu.memory_space<hbm>>) dst(%dma_wait3A_191 : memref<128x64xf32, #tpu.memory_space<vmem>>)
      %mul3A_196 = arith.constant 128 : i32
      %mul3A_197 = arith.muli %add3A_177, %mul3A_196 : i32
      %add3A_198 = arith.addi %mul3A_2, %mul3A_197 : i32
      %dma_start3A_199 = arith.constant 2 : i32
      %dma_start3A_200 = arith.constant 0 : i32
      %dma_start3A_201 = arith.constant 0 : i32
      %dma_start3A_202 = tpu.memref_slice %arg6[%dma_start3A_199, %dma_start3A_200, %dma_start3A_201] : memref<5x128x64xf32, #tpu.memory_space<vmem>> -> memref<1x128x64xf32, #tpu.memory_space<vmem>>
      %dma_start3A_203 = tpu.memref_squeeze %dma_start3A_202 : memref<1x128x64xf32, #tpu.memory_space<vmem>> -> memref<128x64xf32, #tpu.memory_space<vmem>>
      %dma_start3A_204 = arith.constant 0 : i32
      %dma_start3A_205 = tpu.memref_slice %arg4[%add3A_198, %dma_start3A_204] : memref<204800x64xf32, #tpu.memory_space<hbm>> -> memref<128x64xf32, #tpu.memory_space<hbm>>
      %dma_start3A_206 = arith.constant 0 : i32
      %dma_start3A_207 = tpu.memref_slice %arg4[%add3A_198, %dma_start3A_206] : memref<204800x64xf32, #tpu.memory_space<hbm>> -> memref<128x64xf32, #tpu.memory_space<hbm>>
      %dma_start3A_208 = arith.constant 0 : i32
      %dma_start3A_209 = arith.constant 0 : i32
      %dma_start3A_210 = tpu.memref_slice %arg6[%dma_start3A_199, %dma_start3A_208, %dma_start3A_209] : memref<5x128x64xf32, #tpu.memory_space<vmem>> -> memref<1x128x64xf32, #tpu.memory_space<vmem>>
      %dma_start3A_211 = tpu.memref_squeeze %dma_start3A_210 : memref<1x128x64xf32, #tpu.memory_space<vmem>> -> memref<128x64xf32, #tpu.memory_space<vmem>>
      tpu.enqueue_dma source(%dma_start3A_211 : memref<128x64xf32, #tpu.memory_space<vmem>>) target(%dma_start3A_207 : memref<128x64xf32, #tpu.memory_space<hbm>>) target_semaphore(%arg14 : memref<!tpu.dma_semaphore, #tpu.memory_space<semaphore_mem>>)
      %mul3A_212 = arith.constant 5 : i32
      %mul3A_213 = arith.muli %scan3A_100, %mul3A_212 : i32
      %add3A_214 = arith.constant 3 : i32
      %add3A_215 = arith.addi %mul3A_213, %add3A_214 : i32
      %add3A_216 = arith.constant 3 : i32
      %add3A_217 = arith.addi %add3A_215, %add3A_216 : i32
      %lt3A_218 = arith.constant 50 : i32
      %lt3A_219 = arith.cmpi slt, %add3A_217, %lt3A_218 : i32
      %convert_element_type3A_220 = arith.extui %lt3A_219 : i1 to i32
      %cond3A_221 = arith.constant 0 : i32
      %cond3A_222 = arith.cmpi ne, %convert_element_type3A_220, %cond3A_221 : i32
      scf.if %cond3A_222 {
        %add3A_288 = arith.constant 3 : i32
        %add3A_289 = arith.addi %add3A_215, %add3A_288 : i32
        %ge3A = arith.constant 5 : i32
        %ge3A_290 = arith.cmpi sge, %add3A_289, %ge3A : i32
        %convert_element_type3A_291 = arith.extui %ge3A_290 : i1 to i32
        %cond3A_292 = arith.constant 0 : i32
        %cond3A_293 = arith.cmpi ne, %convert_element_type3A_291, %cond3A_292 : i32
        scf.if %cond3A_293 {
          %dma_wait3A_307 = arith.constant 1 : i32
          %dma_wait3A_308 = arith.constant 0 : i32
          %dma_wait3A_309 = arith.constant 0 : i32
          %dma_wait3A_310 = tpu.memref_slice %arg6[%dma_wait3A_307, %dma_wait3A_308, %dma_wait3A_309] : memref<5x128x64xf32, #tpu.memory_space<vmem>> -> memref<1x128x64xf32, #tpu.memory_space<vmem>>
          %dma_wait3A_311 = tpu.memref_squeeze %dma_wait3A_310 : memref<1x128x64xf32, #tpu.memory_space<vmem>> -> memref<128x64xf32, #tpu.memory_space<vmem>>
          %dma_wait3A_312 = arith.constant 0 : i32
          %dma_wait3A_313 = tpu.memref_slice %arg4[%mul3A_2, %dma_wait3A_312] : memref<204800x64xf32, #tpu.memory_space<hbm>> -> memref<128x64xf32, #tpu.memory_space<hbm>>
          %dma_wait3A_314 = arith.constant 0 : i32
          %dma_wait3A_315 = tpu.memref_slice %arg4[%mul3A_2, %dma_wait3A_314] : memref<204800x64xf32, #tpu.memory_space<hbm>> -> memref<128x64xf32, #tpu.memory_space<hbm>>
          %dma_wait3A_316 = arith.constant 0 : i32
          %dma_wait3A_317 = arith.constant 0 : i32
          %dma_wait3A_318 = tpu.memref_slice %arg6[%dma_wait3A_307, %dma_wait3A_316, %dma_wait3A_317] : memref<5x128x64xf32, #tpu.memory_space<vmem>> -> memref<1x128x64xf32, #tpu.memory_space<vmem>>
          %dma_wait3A_319 = tpu.memref_squeeze %dma_wait3A_318 : memref<1x128x64xf32, #tpu.memory_space<vmem>> -> memref<128x64xf32, #tpu.memory_space<vmem>>
          tpu.wait_dma2 semaphore(%arg13 : memref<!tpu.dma_semaphore, #tpu.memory_space<semaphore_mem>>) src(%dma_wait3A_319 : memref<128x64xf32, #tpu.memory_space<vmem>>) dst(%dma_wait3A_315 : memref<128x64xf32, #tpu.memory_space<hbm>>)
        } else {
        }
        %add3A_294 = arith.constant 3 : i32
        %add3A_295 = arith.addi %add3A_215, %add3A_294 : i32
        %mul3A_296 = arith.constant 128 : i32
        %mul3A_297 = arith.muli %add3A_295, %mul3A_296 : i32
        %dma_start3A_298 = arith.constant 1 : i32
        %dma_start3A_299 = arith.constant 0 : i32
        %dma_start3A_300 = arith.constant 0 : i32
        %dma_start3A_301 = tpu.memref_slice %arg6[%dma_start3A_298, %dma_start3A_299, %dma_start3A_300] : memref<5x128x64xf32, #tpu.memory_space<vmem>> -> memref<1x128x64xf32, #tpu.memory_space<vmem>>
        %dma_start3A_302 = tpu.memref_squeeze %dma_start3A_301 : memref<1x128x64xf32, #tpu.memory_space<vmem>> -> memref<128x64xf32, #tpu.memory_space<vmem>>
        %dma_start3A_303 = tpu.memref_slice %arg5[%mul3A_297] : memref<6400xi32, #tpu.memory_space<vmem>> -> memref<128xi32, #tpu.memory_space<vmem>>
        %dma_start3A_304 = arith.constant 0 : i32
        %dma_start3A_305 = arith.constant 0 : i32
        %dma_start3A_306 = tpu.memref_slice %arg2[%dma_start3A_304, %dma_start3A_305] : memref<1000000x64xf32, #tpu.memory_space<hbm>> -> memref<1000000x64xf32, #tpu.memory_space<hbm>>
        tpu.enqueue_indirect_dma source(%dma_start3A_306 : memref<1000000x64xf32, #tpu.memory_space<hbm>>) target(%dma_start3A_302 : memref<128x64xf32, #tpu.memory_space<vmem>>) offsets(%dma_start3A_303 : memref<128xi32, #tpu.memory_space<vmem>>) semaphore(%arg8 : memref<!tpu.dma_semaphore, #tpu.memory_space<semaphore_mem>>)
      } else {
      }
      %mul3A_223 = arith.constant 128 : i32
      %mul3A_224 = arith.muli %add3A_215, %mul3A_223 : i32
      %dma_wait3A_225 = arith.constant 3 : i32
      %dma_wait3A_226 = arith.constant 0 : i32
      %dma_wait3A_227 = arith.constant 0 : i32
      %dma_wait3A_228 = tpu.memref_slice %arg6[%dma_wait3A_225, %dma_wait3A_226, %dma_wait3A_227] : memref<5x128x64xf32, #tpu.memory_space<vmem>> -> memref<1x128x64xf32, #tpu.memory_space<vmem>>
      %dma_wait3A_229 = tpu.memref_squeeze %dma_wait3A_228 : memref<1x128x64xf32, #tpu.memory_space<vmem>> -> memref<128x64xf32, #tpu.memory_space<vmem>>
      %dma_wait3A_230 = tpu.memref_slice %arg5[%mul3A_224] : memref<6400xi32, #tpu.memory_space<vmem>> -> memref<128xi32, #tpu.memory_space<vmem>>
      %dma_wait3A_231 = arith.constant 0 : i32
      %dma_wait3A_232 = arith.constant 0 : i32
      %dma_wait3A_233 = tpu.memref_slice %arg2[%dma_wait3A_231, %dma_wait3A_232] : memref<1000000x64xf32, #tpu.memory_space<hbm>> -> memref<1000000x64xf32, #tpu.memory_space<hbm>>
      tpu.wait_indirect_dma semaphore(%arg10 : memref<!tpu.dma_semaphore, #tpu.memory_space<semaphore_mem>>) src(%dma_wait3A_233 : memref<1000000x64xf32, #tpu.memory_space<hbm>>) dst(%dma_wait3A_229 : memref<128x64xf32, #tpu.memory_space<vmem>>)
      %mul3A_234 = arith.constant 128 : i32
      %mul3A_235 = arith.muli %add3A_215, %mul3A_234 : i32
      %add3A_236 = arith.addi %mul3A_2, %mul3A_235 : i32
      %dma_start3A_237 = arith.constant 3 : i32
      %dma_start3A_238 = arith.constant 0 : i32
      %dma_start3A_239 = arith.constant 0 : i32
      %dma_start3A_240 = tpu.memref_slice %arg6[%dma_start3A_237, %dma_start3A_238, %dma_start3A_239] : memref<5x128x64xf32, #tpu.memory_space<vmem>> -> memref<1x128x64xf32, #tpu.memory_space<vmem>>
      %dma_start3A_241 = tpu.memref_squeeze %dma_start3A_240 : memref<1x128x64xf32, #tpu.memory_space<vmem>> -> memref<128x64xf32, #tpu.memory_space<vmem>>
      %dma_start3A_242 = arith.constant 0 : i32
      %dma_start3A_243 = tpu.memref_slice %arg4[%add3A_236, %dma_start3A_242] : memref<204800x64xf32, #tpu.memory_space<hbm>> -> memref<128x64xf32, #tpu.memory_space<hbm>>
      %dma_start3A_244 = arith.constant 0 : i32
      %dma_start3A_245 = tpu.memref_slice %arg4[%add3A_236, %dma_start3A_244] : memref<204800x64xf32, #tpu.memory_space<hbm>> -> memref<128x64xf32, #tpu.memory_space<hbm>>
      %dma_start3A_246 = arith.constant 0 : i32
      %dma_start3A_247 = arith.constant 0 : i32
      %dma_start3A_248 = tpu.memref_slice %arg6[%dma_start3A_237, %dma_start3A_246, %dma_start3A_247] : memref<5x128x64xf32, #tpu.memory_space<vmem>> -> memref<1x128x64xf32, #tpu.memory_space<vmem>>
      %dma_start3A_249 = tpu.memref_squeeze %dma_start3A_248 : memref<1x128x64xf32, #tpu.memory_space<vmem>> -> memref<128x64xf32, #tpu.memory_space<vmem>>
      tpu.enqueue_dma source(%dma_start3A_249 : memref<128x64xf32, #tpu.memory_space<vmem>>) target(%dma_start3A_245 : memref<128x64xf32, #tpu.memory_space<hbm>>) target_semaphore(%arg15 : memref<!tpu.dma_semaphore, #tpu.memory_space<semaphore_mem>>)
      %mul3A_250 = arith.constant 5 : i32
      %mul3A_251 = arith.muli %scan3A_100, %mul3A_250 : i32
      %add3A_252 = arith.constant 4 : i32
      %add3A_253 = arith.addi %mul3A_251, %add3A_252 : i32
      %add3A_254 = arith.constant 3 : i32
      %add3A_255 = arith.addi %add3A_253, %add3A_254 : i32
      %lt3A_256 = arith.constant 50 : i32
      %lt3A_257 = arith.cmpi slt, %add3A_255, %lt3A_256 : i32
      %convert_element_type3A_258 = arith.extui %lt3A_257 : i1 to i32
      %cond3A_259 = arith.constant 0 : i32
      %cond3A_260 = arith.cmpi ne, %convert_element_type3A_258, %cond3A_259 : i32
      scf.if %cond3A_260 {
        %add3A_288 = arith.constant 3 : i32
        %add3A_289 = arith.addi %add3A_253, %add3A_288 : i32
        %ge3A = arith.constant 5 : i32
        %ge3A_290 = arith.cmpi sge, %add3A_289, %ge3A : i32
        %convert_element_type3A_291 = arith.extui %ge3A_290 : i1 to i32
        %cond3A_292 = arith.constant 0 : i32
        %cond3A_293 = arith.cmpi ne, %convert_element_type3A_291, %cond3A_292 : i32
        scf.if %cond3A_293 {
          %dma_wait3A_307 = arith.constant 2 : i32
          %dma_wait3A_308 = arith.constant 0 : i32
          %dma_wait3A_309 = arith.constant 0 : i32
          %dma_wait3A_310 = tpu.memref_slice %arg6[%dma_wait3A_307, %dma_wait3A_308, %dma_wait3A_309] : memref<5x128x64xf32, #tpu.memory_space<vmem>> -> memref<1x128x64xf32, #tpu.memory_space<vmem>>
          %dma_wait3A_311 = tpu.memref_squeeze %dma_wait3A_310 : memref<1x128x64xf32, #tpu.memory_space<vmem>> -> memref<128x64xf32, #tpu.memory_space<vmem>>
          %dma_wait3A_312 = arith.constant 0 : i32
          %dma_wait3A_313 = tpu.memref_slice %arg4[%mul3A_2, %dma_wait3A_312] : memref<204800x64xf32, #tpu.memory_space<hbm>> -> memref<128x64xf32, #tpu.memory_space<hbm>>
          %dma_wait3A_314 = arith.constant 0 : i32
          %dma_wait3A_315 = tpu.memref_slice %arg4[%mul3A_2, %dma_wait3A_314] : memref<204800x64xf32, #tpu.memory_space<hbm>> -> memref<128x64xf32, #tpu.memory_space<hbm>>
          %dma_wait3A_316 = arith.constant 0 : i32
          %dma_wait3A_317 = arith.constant 0 : i32
          %dma_wait3A_318 = tpu.memref_slice %arg6[%dma_wait3A_307, %dma_wait3A_316, %dma_wait3A_317] : memref<5x128x64xf32, #tpu.memory_space<vmem>> -> memref<1x128x64xf32, #tpu.memory_space<vmem>>
          %dma_wait3A_319 = tpu.memref_squeeze %dma_wait3A_318 : memref<1x128x64xf32, #tpu.memory_space<vmem>> -> memref<128x64xf32, #tpu.memory_space<vmem>>
          tpu.wait_dma2 semaphore(%arg14 : memref<!tpu.dma_semaphore, #tpu.memory_space<semaphore_mem>>) src(%dma_wait3A_319 : memref<128x64xf32, #tpu.memory_space<vmem>>) dst(%dma_wait3A_315 : memref<128x64xf32, #tpu.memory_space<hbm>>)
        } else {
        }
        %add3A_294 = arith.constant 3 : i32
        %add3A_295 = arith.addi %add3A_253, %add3A_294 : i32
        %mul3A_296 = arith.constant 128 : i32
        %mul3A_297 = arith.muli %add3A_295, %mul3A_296 : i32
        %dma_start3A_298 = arith.constant 2 : i32
        %dma_start3A_299 = arith.constant 0 : i32
        %dma_start3A_300 = arith.constant 0 : i32
        %dma_start3A_301 = tpu.memref_slice %arg6[%dma_start3A_298, %dma_start3A_299, %dma_start3A_300] : memref<5x128x64xf32, #tpu.memory_space<vmem>> -> memref<1x128x64xf32, #tpu.memory_space<vmem>>
        %dma_start3A_302 = tpu.memref_squeeze %dma_start3A_301 : memref<1x128x64xf32, #tpu.memory_space<vmem>> -> memref<128x64xf32, #tpu.memory_space<vmem>>
        %dma_start3A_303 = tpu.memref_slice %arg5[%mul3A_297] : memref<6400xi32, #tpu.memory_space<vmem>> -> memref<128xi32, #tpu.memory_space<vmem>>
        %dma_start3A_304 = arith.constant 0 : i32
        %dma_start3A_305 = arith.constant 0 : i32
        %dma_start3A_306 = tpu.memref_slice %arg2[%dma_start3A_304, %dma_start3A_305] : memref<1000000x64xf32, #tpu.memory_space<hbm>> -> memref<1000000x64xf32, #tpu.memory_space<hbm>>
        tpu.enqueue_indirect_dma source(%dma_start3A_306 : memref<1000000x64xf32, #tpu.memory_space<hbm>>) target(%dma_start3A_302 : memref<128x64xf32, #tpu.memory_space<vmem>>) offsets(%dma_start3A_303 : memref<128xi32, #tpu.memory_space<vmem>>) semaphore(%arg9 : memref<!tpu.dma_semaphore, #tpu.memory_space<semaphore_mem>>)
      } else {
      }
      %mul3A_261 = arith.constant 128 : i32
      %mul3A_262 = arith.muli %add3A_253, %mul3A_261 : i32
      %dma_wait3A_263 = arith.constant 4 : i32
      %dma_wait3A_264 = arith.constant 0 : i32
      %dma_wait3A_265 = arith.constant 0 : i32
      %dma_wait3A_266 = tpu.memref_slice %arg6[%dma_wait3A_263, %dma_wait3A_264, %dma_wait3A_265] : memref<5x128x64xf32, #tpu.memory_space<vmem>> -> memref<1x128x64xf32, #tpu.memory_space<vmem>>
      %dma_wait3A_267 = tpu.memref_squeeze %dma_wait3A_266 : memref<1x128x64xf32, #tpu.memory_space<vmem>> -> memref<128x64xf32, #tpu.memory_space<vmem>>
      %dma_wait3A_268 = tpu.memref_slice %arg5[%mul3A_262] : memref<6400xi32, #tpu.memory_space<vmem>> -> memref<128xi32, #tpu.memory_space<vmem>>
      %dma_wait3A_269 = arith.constant 0 : i32
      %dma_wait3A_270 = arith.constant 0 : i32
      %dma_wait3A_271 = tpu.memref_slice %arg2[%dma_wait3A_269, %dma_wait3A_270] : memref<1000000x64xf32, #tpu.memory_space<hbm>> -> memref<1000000x64xf32, #tpu.memory_space<hbm>>
      tpu.wait_indirect_dma semaphore(%arg11 : memref<!tpu.dma_semaphore, #tpu.memory_space<semaphore_mem>>) src(%dma_wait3A_271 : memref<1000000x64xf32, #tpu.memory_space<hbm>>) dst(%dma_wait3A_267 : memref<128x64xf32, #tpu.memory_space<vmem>>)
      %mul3A_272 = arith.constant 128 : i32
      %mul3A_273 = arith.muli %add3A_253, %mul3A_272 : i32
      %add3A_274 = arith.addi %mul3A_2, %mul3A_273 : i32
      %dma_start3A_275 = arith.constant 4 : i32
      %dma_start3A_276 = arith.constant 0 : i32
      %dma_start3A_277 = arith.constant 0 : i32
      %dma_start3A_278 = tpu.memref_slice %arg6[%dma_start3A_275, %dma_start3A_276, %dma_start3A_277] : memref<5x128x64xf32, #tpu.memory_space<vmem>> -> memref<1x128x64xf32, #tpu.memory_space<vmem>>
      %dma_start3A_279 = tpu.memref_squeeze %dma_start3A_278 : memref<1x128x64xf32, #tpu.memory_space<vmem>> -> memref<128x64xf32, #tpu.memory_space<vmem>>
      %dma_start3A_280 = arith.constant 0 : i32
      %dma_start3A_281 = tpu.memref_slice %arg4[%add3A_274, %dma_start3A_280] : memref<204800x64xf32, #tpu.memory_space<hbm>> -> memref<128x64xf32, #tpu.memory_space<hbm>>
      %dma_start3A_282 = arith.constant 0 : i32
      %dma_start3A_283 = tpu.memref_slice %arg4[%add3A_274, %dma_start3A_282] : memref<204800x64xf32, #tpu.memory_space<hbm>> -> memref<128x64xf32, #tpu.memory_space<hbm>>
      %dma_start3A_284 = arith.constant 0 : i32
      %dma_start3A_285 = arith.constant 0 : i32
      %dma_start3A_286 = tpu.memref_slice %arg6[%dma_start3A_275, %dma_start3A_284, %dma_start3A_285] : memref<5x128x64xf32, #tpu.memory_space<vmem>> -> memref<1x128x64xf32, #tpu.memory_space<vmem>>
      %dma_start3A_287 = tpu.memref_squeeze %dma_start3A_286 : memref<1x128x64xf32, #tpu.memory_space<vmem>> -> memref<128x64xf32, #tpu.memory_space<vmem>>
      tpu.enqueue_dma source(%dma_start3A_287 : memref<128x64xf32, #tpu.memory_space<vmem>>) target(%dma_start3A_283 : memref<128x64xf32, #tpu.memory_space<hbm>>) target_semaphore(%arg16 : memref<!tpu.dma_semaphore, #tpu.memory_space<semaphore_mem>>)
    }
    %scan3A_35 = arith.constant 10 : i32
    %dma_wait3A = arith.constant 0 : i32
    %dma_wait3A_36 = arith.constant 0 : i32
    %dma_wait3A_37 = arith.constant 0 : i32
    %dma_wait3A_38 = tpu.memref_slice %arg6[%dma_wait3A, %dma_wait3A_36, %dma_wait3A_37] : memref<5x128x64xf32, #tpu.memory_space<vmem>> -> memref<1x128x64xf32, #tpu.memory_space<vmem>>
    %dma_wait3A_39 = tpu.memref_squeeze %dma_wait3A_38 : memref<1x128x64xf32, #tpu.memory_space<vmem>> -> memref<128x64xf32, #tpu.memory_space<vmem>>
    %dma_wait3A_40 = arith.constant 0 : i32
    %dma_wait3A_41 = tpu.memref_slice %arg4[%mul3A_2, %dma_wait3A_40] : memref<204800x64xf32, #tpu.memory_space<hbm>> -> memref<128x64xf32, #tpu.memory_space<hbm>>
    %dma_wait3A_42 = arith.constant 0 : i32
    %dma_wait3A_43 = tpu.memref_slice %arg4[%mul3A_2, %dma_wait3A_42] : memref<204800x64xf32, #tpu.memory_space<hbm>> -> memref<128x64xf32, #tpu.memory_space<hbm>>
    %dma_wait3A_44 = arith.constant 0 : i32
    %dma_wait3A_45 = arith.constant 0 : i32
    %dma_wait3A_46 = tpu.memref_slice %arg6[%dma_wait3A, %dma_wait3A_44, %dma_wait3A_45] : memref<5x128x64xf32, #tpu.memory_space<vmem>> -> memref<1x128x64xf32, #tpu.memory_space<vmem>>
    %dma_wait3A_47 = tpu.memref_squeeze %dma_wait3A_46 : memref<1x128x64xf32, #tpu.memory_space<vmem>> -> memref<128x64xf32, #tpu.memory_space<vmem>>
    tpu.wait_dma2 semaphore(%arg12 : memref<!tpu.dma_semaphore, #tpu.memory_space<semaphore_mem>>) src(%dma_wait3A_47 : memref<128x64xf32, #tpu.memory_space<vmem>>) dst(%dma_wait3A_43 : memref<128x64xf32, #tpu.memory_space<hbm>>)
    %dma_wait3A_48 = arith.constant 1 : i32
    %dma_wait3A_49 = arith.constant 0 : i32
    %dma_wait3A_50 = arith.constant 0 : i32
    %dma_wait3A_51 = tpu.memref_slice %arg6[%dma_wait3A_48, %dma_wait3A_49, %dma_wait3A_50] : memref<5x128x64xf32, #tpu.memory_space<vmem>> -> memref<1x128x64xf32, #tpu.memory_space<vmem>>
    %dma_wait3A_52 = tpu.memref_squeeze %dma_wait3A_51 : memref<1x128x64xf32, #tpu.memory_space<vmem>> -> memref<128x64xf32, #tpu.memory_space<vmem>>
    %dma_wait3A_53 = arith.constant 0 : i32
    %dma_wait3A_54 = tpu.memref_slice %arg4[%mul3A_2, %dma_wait3A_53] : memref<204800x64xf32, #tpu.memory_space<hbm>> -> memref<128x64xf32, #tpu.memory_space<hbm>>
    %dma_wait3A_55 = arith.constant 0 : i32
    %dma_wait3A_56 = tpu.memref_slice %arg4[%mul3A_2, %dma_wait3A_55] : memref<204800x64xf32, #tpu.memory_space<hbm>> -> memref<128x64xf32, #tpu.memory_space<hbm>>
    %dma_wait3A_57 = arith.constant 0 : i32
    %dma_wait3A_58 = arith.constant 0 : i32
    %dma_wait3A_59 = tpu.memref_slice %arg6[%dma_wait3A_48, %dma_wait3A_57, %dma_wait3A_58] : memref<5x128x64xf32, #tpu.memory_space<vmem>> -> memref<1x128x64xf32, #tpu.memory_space<vmem>>
    %dma_wait3A_60 = tpu.memref_squeeze %dma_wait3A_59 : memref<1x128x64xf32, #tpu.memory_space<vmem>> -> memref<128x64xf32, #tpu.memory_space<vmem>>
    tpu.wait_dma2 semaphore(%arg13 : memref<!tpu.dma_semaphore, #tpu.memory_space<semaphore_mem>>) src(%dma_wait3A_60 : memref<128x64xf32, #tpu.memory_space<vmem>>) dst(%dma_wait3A_56 : memref<128x64xf32, #tpu.memory_space<hbm>>)
    %dma_wait3A_61 = arith.constant 2 : i32
    %dma_wait3A_62 = arith.constant 0 : i32
    %dma_wait3A_63 = arith.constant 0 : i32
    %dma_wait3A_64 = tpu.memref_slice %arg6[%dma_wait3A_61, %dma_wait3A_62, %dma_wait3A_63] : memref<5x128x64xf32, #tpu.memory_space<vmem>> -> memref<1x128x64xf32, #tpu.memory_space<vmem>>
    %dma_wait3A_65 = tpu.memref_squeeze %dma_wait3A_64 : memref<1x128x64xf32, #tpu.memory_space<vmem>> -> memref<128x64xf32, #tpu.memory_space<vmem>>
    %dma_wait3A_66 = arith.constant 0 : i32
    %dma_wait3A_67 = tpu.memref_slice %arg4[%mul3A_2, %dma_wait3A_66] : memref<204800x64xf32, #tpu.memory_space<hbm>> -> memref<128x64xf32, #tpu.memory_space<hbm>>
    %dma_wait3A_68 = arith.constant 0 : i32
    %dma_wait3A_69 = tpu.memref_slice %arg4[%mul3A_2, %dma_wait3A_68] : memref<204800x64xf32, #tpu.memory_space<hbm>> -> memref<128x64xf32, #tpu.memory_space<hbm>>
    %dma_wait3A_70 = arith.constant 0 : i32
    %dma_wait3A_71 = arith.constant 0 : i32
    %dma_wait3A_72 = tpu.memref_slice %arg6[%dma_wait3A_61, %dma_wait3A_70, %dma_wait3A_71] : memref<5x128x64xf32, #tpu.memory_space<vmem>> -> memref<1x128x64xf32, #tpu.memory_space<vmem>>
    %dma_wait3A_73 = tpu.memref_squeeze %dma_wait3A_72 : memref<1x128x64xf32, #tpu.memory_space<vmem>> -> memref<128x64xf32, #tpu.memory_space<vmem>>
    tpu.wait_dma2 semaphore(%arg14 : memref<!tpu.dma_semaphore, #tpu.memory_space<semaphore_mem>>) src(%dma_wait3A_73 : memref<128x64xf32, #tpu.memory_space<vmem>>) dst(%dma_wait3A_69 : memref<128x64xf32, #tpu.memory_space<hbm>>)
    %dma_wait3A_74 = arith.constant 3 : i32
    %dma_wait3A_75 = arith.constant 0 : i32
    %dma_wait3A_76 = arith.constant 0 : i32
    %dma_wait3A_77 = tpu.memref_slice %arg6[%dma_wait3A_74, %dma_wait3A_75, %dma_wait3A_76] : memref<5x128x64xf32, #tpu.memory_space<vmem>> -> memref<1x128x64xf32, #tpu.memory_space<vmem>>
    %dma_wait3A_78 = tpu.memref_squeeze %dma_wait3A_77 : memref<1x128x64xf32, #tpu.memory_space<vmem>> -> memref<128x64xf32, #tpu.memory_space<vmem>>
    %dma_wait3A_79 = arith.constant 0 : i32
    %dma_wait3A_80 = tpu.memref_slice %arg4[%mul3A_2, %dma_wait3A_79] : memref<204800x64xf32, #tpu.memory_space<hbm>> -> memref<128x64xf32, #tpu.memory_space<hbm>>
    %dma_wait3A_81 = arith.constant 0 : i32
    %dma_wait3A_82 = tpu.memref_slice %arg4[%mul3A_2, %dma_wait3A_81] : memref<204800x64xf32, #tpu.memory_space<hbm>> -> memref<128x64xf32, #tpu.memory_space<hbm>>
    %dma_wait3A_83 = arith.constant 0 : i32
    %dma_wait3A_84 = arith.constant 0 : i32
    %dma_wait3A_85 = tpu.memref_slice %arg6[%dma_wait3A_74, %dma_wait3A_83, %dma_wait3A_84] : memref<5x128x64xf32, #tpu.memory_space<vmem>> -> memref<1x128x64xf32, #tpu.memory_space<vmem>>
    %dma_wait3A_86 = tpu.memref_squeeze %dma_wait3A_85 : memref<1x128x64xf32, #tpu.memory_space<vmem>> -> memref<128x64xf32, #tpu.memory_space<vmem>>
    tpu.wait_dma2 semaphore(%arg15 : memref<!tpu.dma_semaphore, #tpu.memory_space<semaphore_mem>>) src(%dma_wait3A_86 : memref<128x64xf32, #tpu.memory_space<vmem>>) dst(%dma_wait3A_82 : memref<128x64xf32, #tpu.memory_space<hbm>>)
    %dma_wait3A_87 = arith.constant 4 : i32
    %dma_wait3A_88 = arith.constant 0 : i32
    %dma_wait3A_89 = arith.constant 0 : i32
    %dma_wait3A_90 = tpu.memref_slice %arg6[%dma_wait3A_87, %dma_wait3A_88, %dma_wait3A_89] : memref<5x128x64xf32, #tpu.memory_space<vmem>> -> memref<1x128x64xf32, #tpu.memory_space<vmem>>
    %dma_wait3A_91 = tpu.memref_squeeze %dma_wait3A_90 : memref<1x128x64xf32, #tpu.memory_space<vmem>> -> memref<128x64xf32, #tpu.memory_space<vmem>>
    %dma_wait3A_92 = arith.constant 0 : i32
    %dma_wait3A_93 = tpu.memref_slice %arg4[%mul3A_2, %dma_wait3A_92] : memref<204800x64xf32, #tpu.memory_space<hbm>> -> memref<128x64xf32, #tpu.memory_space<hbm>>
    %dma_wait3A_94 = arith.constant 0 : i32
    %dma_wait3A_95 = tpu.memref_slice %arg4[%mul3A_2, %dma_wait3A_94] : memref<204800x64xf32, #tpu.memory_space<hbm>> -> memref<128x64xf32, #tpu.memory_space<hbm>>
    %dma_wait3A_96 = arith.constant 0 : i32
    %dma_wait3A_97 = arith.constant 0 : i32
    %dma_wait3A_98 = tpu.memref_slice %arg6[%dma_wait3A_87, %dma_wait3A_96, %dma_wait3A_97] : memref<5x128x64xf32, #tpu.memory_space<vmem>> -> memref<1x128x64xf32, #tpu.memory_space<vmem>>
    %dma_wait3A_99 = tpu.memref_squeeze %dma_wait3A_98 : memref<1x128x64xf32, #tpu.memory_space<vmem>> -> memref<128x64xf32, #tpu.memory_space<vmem>>
    tpu.wait_dma2 semaphore(%arg16 : memref<!tpu.dma_semaphore, #tpu.memory_space<semaphore_mem>>) src(%dma_wait3A_99 : memref<128x64xf32, #tpu.memory_space<vmem>>) dst(%dma_wait3A_95 : memref<128x64xf32, #tpu.memory_space<hbm>>)
    return
  }
}

</mosaic_0001>

<sc_bundles>
// kernel: kernel.3.cloned.1.call-start
scs
__scs_entry_jumppad:
0x0: {  	(pc) =	sbr.rel $0x88, $3  }
0x1: {  	(tag) =	ssettag $0x0;
	lr =	simm.s32 $0x1  }
0x2: {  	[smem:$0x3F9F] =	sst lr;
	_ =	strace $0xD0000000  }
0x3: {  	_ = 	snop  }
0x4: {  	_ = 	snop  }
0x5: {  	_ = 	snop  }
0x6: {  	_ = 	snop  }
0x7: {  	_ = 	snop  }
__scs_overlays_trampoline_lowered:
0x8: {  	[smem:$0x3FAE] =	sst s0  }
0x9: {  	[smem:$0x3FAF] =	sst s1  }
0xa: {  	[smem:$0x3FB0] =	sst s2  }
0xb: {  	[smem:$0x3FB1] =	sst s3  }
0xc: {  	[smem:$0x3FB2] =	sst s4  }
0xd: {  	[smem:$0x3FB3] =	sst s5  }
0xe: {  	[smem:$0x3FB4] =	sst s6  }
0xf: {  	[smem:$0x3FB5] =	sst s7  }
0x10: {  	[smem:$0x3FB6] =	sst s8  }
0x11: {  	[smem:$0x3FB7] =	sst s9;
	s0 =	simm.s32 @!p0 $0x0  }
0x12: {  	s1 =	sld [smem:$0x3F9D];
	s0 =	simm.s32 @p0 $0x1  }
0x13: {  	[smem:$0x3FB8] =	sst s0;
	s0 =	simm.s32 @!p1 $0x0  }
0x14: {  	s2 =	sld [smem:$0x3F9C];
	s0 =	simm.s32 @p1 $0x1  }
0x15: {  	[smem:$0x3FB9] =	sst s0;
	s0 =	simm.s32 @!p2 $0x0  }
0x16: {  	s3 =	sld [smem:$0x3FDB];
	s0 =	simm.s32 @p2 $0x1  }
0x17: {  	s4 =	simm.s32 $0x1BF5;
	[smem:$0x3FBB] =	sst s0  }
0x18: {  	s0 =	sld [smem:$0x3F9E];
	_ =	swait.ge [sflag:s4], $0x0  }
0x19: {  	s7 =	sld [smem:$0x3F9F]  }
0x1a: {  	s8 =	sadd.s32 $0xFFFFE003, lr  }
0x1b: {  	s9 =	sadd.s32 $0xFFFFFEF7, lr;
	s5 =	simm.s32 $0xFFFFFFFF;
	p2 =	slt.u32 s8, $0xFFFFF086  }
0x1c: {  	p1 =	slt.u32 s9, $0xF7A;
	s5 =	simm.s32 @!p2 $0x0  }
0x1d: {  	s5 =	simm.s32 @p1 $0x1;
	p0 =	seq.s32 s7, s2  }
0x1e: {  	s7 =	smul.u32 @!p0 $0xF7A, s2;
	p2 =	seq.s32 @!p0 s5, $0x0  }
0x1f: {  	s9 =	smul.u32 $0xF7A, s1;
	s8 =	simm.s32 @!p0 $0x1BF5;
	p2 =	por !p2, p0  }
0x20: {  	[sflag:s8] =	ssyncset.s32 @!p0 $0xFFFFF086;
	s6 =	sadd.s32 @!p0 s3, s7;
	s7 =	simm.s32 @!p0 $0x108  }
0x21: {  	s3 =	sadd.s32 s3, s9;
	s6 =	sadd.s32 @!p0 $0x88, s6;
	s7 =	simm.s32 @p2 $0x1082  }
0x22: {  	[simem:s7], [sflag:s8] =	dma.local @!p0 [hbm:s6], $0xF7A  }
0x23: {  	s9 =	sor.u32 $0xD0000000, s2;
	s6 =	simm.s32 $0x108;
	_ =	swait.ge @!p0 [sflag:s8], $0x0  }
0x24: {  	s3 =	sadd.s32 $0x88, s3;
	s6 =	simm.s32 @!p1 $0x1082;
	[sflag:s4] =	ssyncset.s32 $0xFFFFF086  }
0x25: {  	[simem:s6], [sflag:s4] =	dma.local [hbm:s3], $0xF7A  }
0x26: {  	[smem:$0x3F9F] =	sst s1;
	(tag) =	ssettag s2;
	_ =	strace s9  }
0x27: {  	s1 =	sld [smem:$0x3FAF]  }
0x28: {  	s2 =	sld [smem:$0x3FB0]  }
0x29: {  	s4 =	sld [smem:$0x3FB2]  }
0x2a: {  	p0 =	seq.s32 s5, $0x0;
	s5 =	sld [smem:$0x3FB3]  }
0x2b: {  	s6 =	sld [smem:$0x3FB4]  }
0x2c: {  	s7 =	sld [smem:$0x3FB5]  }
0x2d: {  	s3 =	simm.s32 $0x108;
	s8 =	sld [smem:$0x3FB6]  }
0x2e: {  	s3 =	simm.s32 @!p0 $0x1082;
	s9 =	sld [smem:$0x3FB7]  }
0x2f: {  	lr =	sadd.s32 s0, s3;
	s0 =	sld [smem:$0x3FAE]  }
0x30: {  	s3 =	sld [smem:$0x3FB1]  }
0x31: {  	[smem:$0x3FBA] =	sst s10  }
0x32: {  	s10 =	sld [smem:$0x3FB8];
	_ =	sdelay $0x3  }
0x33: {  	p0 =	seq.s32 s10, $0x1;
	s10 =	sld [smem:$0x3FBA];
	_ =	sdelay $0x3  }
0x34: {  	[smem:$0x3FBA] =	sst s10  }
0x35: {  	s10 =	sld [smem:$0x3FB9];
	_ =	sdelay $0x3  }
0x36: {  	p1 =	seq.s32 s10, $0x1;
	s10 =	sld [smem:$0x3FBA];
	_ =	sdelay $0x3  }
0x37: {  	[smem:$0x3FBA] =	sst s10  }
0x38: {  	s10 =	sld [smem:$0x3FBB]  }
0x39: {  	_ = 	snop;
	(pc) =	sbr.ind lr, $3  }
0x3a: {  	_ = 	snop  }
0x3b: {  	_ = 	snop  }
0x3c: {  	p2 =	seq.s32 s10, $0x1;
	s10 =	sld [smem:$0x3FBA]  }
0x3d: {  	_ =	shalt  }
0x3e: {  	_ =	shalt  }
0x3f: {  	_ =	shalt  }
0x40: {  	_ =	shalt  }
0x41: {  	_ =	shalt  }
0x42: {  	_ =	shalt  }
0x43: {  	_ =	shalt  }
0x44: {  	_ =	shalt  }
0x45: {  	_ =	shalt  }
0x46: {  	_ =	shalt  }
0x47: {  	_ =	shalt  }
0x48: {  	_ =	shalt  }
0x49: {  	_ =	shalt  }
0x4a: {  	_ =	shalt  }
0x4b: {  	_ =	shalt  }
0x4c: {  	_ =	shalt  }
0x4d: {  	_ =	shalt  }
0x4e: {  	_ =	shalt  }
0x4f: {  	_ =	shalt  }
0x50: {  	_ =	shalt  }
0x51: {  	_ =	shalt  }
0x52: {  	_ =	shalt  }
0x53: {  	_ =	shalt  }
0x54: {  	_ =	shalt  }
0x55: {  	_ =	shalt  }
0x56: {  	_ =	shalt  }
0x57: {  	_ =	shalt  }
0x58: {  	_ =	shalt  }
0x59: {  	_ =	shalt  }
0x5a: {  	_ =	shalt  }
0x5b: {  	_ =	shalt  }
0x5c: {  	_ =	shalt  }
0x5d: {  	_ =	shalt  }
0x5e: {  	_ =	shalt  }
0x5f: {  	_ =	shalt  }
0x60: {  	_ =	shalt  }
0x61: {  	_ =	shalt  }
0x62: {  	_ =	shalt  }
0x63: {  	_ =	shalt  }
0x64: {  	_ =	shalt  }
0x65: {  	_ =	shalt  }
0x66: {  	_ =	shalt  }
0x67: {  	_ =	shalt  }
0x68: {  	_ =	shalt  }
0x69: {  	_ =	shalt  }
0x6a: {  	_ =	shalt  }
0x6b: {  	_ =	shalt  }
0x6c: {  	_ =	shalt  }
0x6d: {  	_ =	shalt  }
0x6e: {  	_ =	shalt  }
0x6f: {  	_ =	shalt  }
0x70: {  	_ =	shalt  }
0x71: {  	_ =	shalt  }
0x72: {  	_ =	shalt  }
0x73: {  	_ =	shalt  }
0x74: {  	_ =	shalt  }
0x75: {  	_ =	shalt  }
0x76: {  	_ =	shalt  }
0x77: {  	_ =	shalt  }
0x78: {  	_ =	shalt  }
0x79: {  	_ =	shalt  }
0x7a: {  	_ =	shalt  }
0x7b: {  	_ =	shalt  }
0x7c: {  	_ =	shalt  }
0x7d: {  	_ =	shalt  }
0x7e: {  	_ =	shalt  }
0x7f: {  	_ =	shalt  }
0x80: {  	_ =	shalt  }
0x81: {  	_ =	shalt  }
0x82: {  	_ =	shalt  }
0x83: {  	_ =	shalt  }
0x84: {  	_ =	shalt  }
0x85: {  	_ =	shalt  }
0x86: {  	_ =	shalt  }
0x87: {  	_ =	shalt  }
.Lfunc_end0:
.L_simem_size_0:
called_computation.1_lowered:
.L_overlay_start_0:
0x88: {  	s2 =	sld [smem:$0x3FD9]  }
0x89: {  	s3 =	sld [smem:$0x3FFE];
	_ =	sdelay $0x1  }
0x8a: {  	s1 =	srdreg.scid  }
0x8b: {  	s0 =	sand.u32 $0x1, s1  }
0x8c: {  	s17 =	sshll.u32 s0, $0xA;
	s2 =	sadd.s32 s3, s2  }
0x8d: {  	s2 =	sadd.s32 s2, s17  }
0x8e: {  	[smem:$0x3FC6] =	sst s2  }
0x8f: {  	_ = 	snop  }
0x90: {  	s2 =	sld [smem:$0x3FD0];
	(tm) =	ssettm $0x1  }
0x91: {  	s18 =	sld [smem:$0x3FFB];
	_ =	sdelay $0x3  }
0x92: {  	_ =	strace s18  }
0x93: {  	s3 =	sld [smem:$0x3FFC];
	_ =	sdelay $0x3  }
0x94: {  	_ =	strace s3  }
0x95: {  	s3 =	sld [smem:$0x3FFD];
	_ =	sdelay $0x3  }
0x96: {  	_ =	strace s3  }
0x97: {  	_ =	strace $0x8FFFFFFF  }
0x98: {  	s19 =	sld [smem:$0x3FDB];
	_ =	sdelay $0x1  }
0x99: {  	s4 =	simm.s32 $_scs_section_size  }
0x9a: {  	s5 =	simm.s32 $_size__tile_overlayer_lowered;
	s6 =	simm.s32 $_tile_overlayer_lowered  }
0x9b: {  	s22 =	simm.s32 $0x1BFF;
	s21 =	sshll.u32 s6, $0x1;
	s3 =	sadd.s32 s4, s19  }
0x9c: {  	s7 =	simm.s32 $0x0;
	s20 =	sshll.u32 s5, $0x1;
	s5 =	sadd.s32 s21, s3  }
0x9d: {  	[timem:s7], [sflag:s22] =	dma.local [hbm:s5], s20  }
0x9e: {  	_ =	swait.ge [sflag:s22], s20  }
0x9f: {  	s4 =	ssub.s32 $0x0, s20;
	[sflag:s22] =	ssyncset.done $0x0  }
0xa0: {  	[sflag:s22] =	ssyncadd.s32 s4;
	_ =	sdelay $0x1  }
0xa1: {  	s23 =	simm.s32 $0x1B8B  }
0xa2: {  	_ =	swait.ge [sflag:s23], $0x1  }
0xa3: {  	[sflag:s23] =	ssyncset.done $0x0  }
0xa4: {  	s25 =	simm.s32 $0x1B8E;
	s24 =	sld [smem:$0x3FFE];
	[sflag:s23] =	ssyncadd.s32 $0xFFFFFFFF  }
0xa5: {  	s26 =	simm.s32 $execute0_lowered;
	[smem:$0x3FD2] =	sst s25  }
0xa6: {  	s5 =	sshll.u32 s26, $0x1;
	_ =	strace $0x80000046;
	[dreg:$0x1] =	wrdreg $0xFFFFFFFF  }
0xa7: {  	s28 =	simm.s32 $_size_execute0_lowered;
	s3 =	sadd.s32 s3, s5;
	[dreg:$0x0] =	wrdreg $0x0  }
0xa8: {  	s5 =	sshll.u32 s28, $0x1;
	[dreg:$0x2] =	wrdreg s3  }
0xa9: {  	[dreg:$0x3] =	wrdreg s5  }
0xaa: {  	[dreg:$0x4] =	wrdreg $0xC0  }
0xab: {  	_ =	task [dreg:s7], $0x5FFFF  }
0xac: {  	[dreg:$0x1] =	wrdreg $0xFFFFFFFF  }
0xad: {  	[dreg:$0x0] =	wrdreg $0x60  }
0xae: {  	[dreg:$0x2] =	wrdreg s24  }
0xaf: {  	[dreg:$0x3] =	wrdreg s2  }
0xb0: {  	[dreg:$0x4] =	wrdreg $0x9  }
0xb1: {  	_ =	task.clear_ibuf [dreg:s7], $0x5FFFF;
	_ =	strace $0x90000046  }
0xb2: {  	s29 =	simm.s32 $0x9;
	_ =	strace $0x80000048  }
0xb3: {  	_ =	swait.ge [sflag:s29], $0x1  }
0xb4: {  	[sflag:s29] =	ssyncadd.s32 $0xFFFFFFFF  }
0xb5: {  	_ =	strace $0x90000048  }
0xb6: {  	_ =	sfence  }
0xb7: {  	s30 =	sld [smem:$0x0];
	_ =	sdelay $0x2  }
0xb8: {  	s31 =	sshll.u32 s1, $0xD;
	s1 =	sshrl.u32 s1, $0x2  }
0xb9: {  	s3 =	sand.u32 $0x4000, s31;
	s1 =	sadd.s32 s1, s30  }
0xba: {  	s0 =	sor.u32 s3, s0;
	s1 =	sshll.u32 s1, $0x11  }
0xbb: {  	s0 =	sor.u32 s1, s0  }
0xbc: {  	s0 =	sadd.s32 $0x8F2B, s0  }
0xbd: {  	[sflag:s0] =	ssyncadd.remote.s32 $0x1  }
0xbe: {  	_ =	sfence.sel $0xFFFF  }
0xbf: {  	[dreg:$0x0] =	wrdreg $0xFFFFFFFF;
	(pc) =	sbr.abs _section_cstart, $3  }
0xc0: {  	[dreg:$0x1] =	wrdreg $0xFFFFFFFF  }
0xc1: {  	_ =	task.clear_ibuf [dreg:s7], $0x2FFFF;
	_ =	strace $0x9FFFFFFF  }
0xc2: {  	(tm) =	ssettm $0x7FFFFFFF  }
0xc3: {  	_ =	shalt  }
tec
execute0_lowered:
.L_overlay_start_1:
0x0: {  	(tag) =	ssettag $0x1  }
0x1: {  	s0 =	srdreg.scid;
	s1 =	rddreg [dreg:$0x0]  }
0x2: {  	s10 =	stileid.u32;
	s4 =	rddreg [dreg:$0x1]  }
0x3: {  	s12 =	simm.s32 $0x80;
	s13 =	simm.s32 $0x1900;
	s14 =	simm.s32 $0x3900  }
0x4: {  	s16 =	simm.s32 $0x5900;
	s17 =	simm.s32 $0x7900;
	s6 =	smul.u32 $0x3200, s10  }
0x5: {  	s18 =	simm.s32 $0x1;
	s19 =	simm.s32 $0x9900;
	s24 =	smul.u32 $0xC8000, s10  }
0x6: {  	s20 =	simm.s32 $0x2;
	s0 =	sand.u32 $0x1, s0;
	s28 =	smul.u32 $0x19000, s10  }
0x7: {  	s21 =	simm.s32 $0x3;
	s2 =	sshll.u32 s10, $0x1;
	s7 =	smul.u32 $0x1900, s0  }
0x8: {  	s22 =	simm.s32 $0x4;
	s3 =	sor.u32 s0, s2;
	s9 =	smul.u32 $0x64000, s0  }
0x9: {  	s2 =	simm.s32 $0x0;
	s8 =	ssub.s32 $0x2, s0;
	s0 =	smul.u32 $0xC800, s0  }
0xa: {  	s30 =	simm.s32 $0x0;
	s5 =	smul.u32 $0x1900, s3;
	[smem:$0x7FF] =	sst s2  }
0xb: {  	s3 =	sadd.s32 $0xF42E00, s1;
	s23 =	sshrl.u32 s8, $0x1;
	_ =	strace $0x80000047  }
0xc: {  	s6 =	sadd.s32 s7, s6;
	s29 =	sadd.s32 s9, s24;
	s5 =	sshrl.u32 s5, $0x3  }
0xd: {  	s6 =	sshll.u32 s6, $0x3;
	s9 =	sadd.s32 $0x8000, s29;
	s1 =	sadd.s32 s5, s1  }
0xe: {  	s5 =	ssub.s32 s8, s23;
	s25 =	sadd.s32 s6, s4;
	s31 =	sshrl.u32 s9, $0x3  }
0xf: {  	s23 =	simm.s32 $0x5;
	s1 =	sadd.s32 $0xA00, s1;
	s5 =	smax.u32 s5, $0x1  }
0x10: {  	s26 =	sadd.s32 $0x800, s25;
	[dreg:$0x3] =	wrdreg s1;
	s1 =	sadd.s32 $0x400, s25  }
0x11: {  	s24 =	sadd.s32 s31, s4;
	[dreg:$0x6] =	wrdreg s1;
	s1 =	sadd.s32 $0x6000, s29  }
0x12: {  	[dreg:$0x4] =	wrdreg s5;
	s5 =	sadd.s32 s28, s4;
	s1 =	sshrl.u32 s1, $0x3  }
0x13: {  	[dreg:$0x5] =	wrdreg s26;
	s8 =	sadd.s32 s0, s5;
	s10 =	sadd.s32 s1, s4  }
.LBB2_1:
0x14: {  	s0 =	rddreg [dreg:$0x3];
	s26 =	simm.s32 $0xB  }
0x15: {  	[tilespmem:s2], [sflag:$0xB] =	stream.linear.gather [hbm4b:s0+s2], $0x1900, $0x38;
	[tilespmem:$0xB900] =	vst v63  }
0x16: {  	_ =	swait.ge [sflag:s26], $0x1900  }
0x17: {  	[sflag:s26] =	ssyncset.done $0x0  }
0x18: {  	[sflag:s26] =	ssyncadd.s32 $0xFFFFE700  }
0x19: {  	[tilespmem:s13], [sflag:$0x1] =	stream.indirect.gather [hbm4b:s3+s12], $0x40, s2, s12, $0xb8;
	[tilespmem:$0xB900] =	vst v63  }
0x1a: {  	p0 =	por $0x1, $0x1  }
0x1b: {  	[tilespmem:s14], [sflag:$0x2] =	stream.indirect.gather [hbm4b:s3+s12], $0x40, s12, s12, $0xb8;
	[tilespmem:$0xB900] =	vst v63  }
0x1c: {  	s28 =	simm.s32 $0x100;
	s0 =	simm.s32 @!p0 $0x9  }
0x1d: {  	[tilespmem:s16], [sflag:$0x3] =	stream.indirect.gather [hbm4b:s3+s12], $0x40, s28, s12, $0xb8;
	[tilespmem:$0xB900] =	vst v63  }
0x1e: {  	_ =	swait.ge @!p0 [sflag:s0], $0x2000  }
0x1f: {  	[sflag:s0] =	ssyncset.done @!p0 $0x0  }
0x20: {  	s1 =	simm.s32 $0x180;
	[sflag:s0] =	ssyncadd.s32 @!p0 $0xFFFFE000  }
0x21: {  	[tilespmem:s17], [sflag:$0x4] =	stream.indirect.gather [hbm4b:s3+s12], $0x40, s1, s12, $0xb8;
	[tilespmem:$0xB900] =	vst v63  }
0x22: {  	_ =	swait.ge [sflag:s18], $0x2000  }
0x23: {  	[sflag:s18] =	ssyncset.done $0x0  }
0x24: {  	s0 =	simm.s32 @!p0 $0xA;
	[sflag:s18] =	ssyncadd.s32 $0xFFFFE000  }
0x25: {  	[hbm4b:s8+s2] =	stream.linear.scatter [tilespmem:s13], [sflag:$0x6], $0x2000, $0x38;
	[tilespmem:$0xB900] =	vst v63  }
0x26: {  	_ =	swait.ge @!p0 [sflag:s0], $0x2000  }
0x27: {  	[sflag:s0] =	ssyncset.done @!p0 $0x0  }
0x28: {  	s29 =	simm.s32 $0x200;
	[sflag:s0] =	ssyncadd.s32 @!p0 $0xFFFFE000  }
0x29: {  	[tilespmem:s19], [sflag:$0x5] =	stream.indirect.gather [hbm4b:s3+s12], $0x40, s29, s12, $0xb8;
	[tilespmem:$0xB900] =	vst v63  }
0x2a: {  	_ =	swait.ge [sflag:s20], $0x2000  }
0x2b: {  	p0 =	por $0x0, $0x0;
	[sflag:s20] =	ssyncset.done $0x0  }
0x2c: {  	s0 =	simm.s32 @!p0 $0x6;
	s7 =	rddreg [dreg:$0x6];
	[sflag:s20] =	ssyncadd.s32 $0xFFFFE000  }
0x2d: {  	[hbm4b:s7+s2] =	stream.linear.scatter [tilespmem:s14], [sflag:$0x7], $0x2000, $0x38;
	[tilespmem:$0xB900] =	vst v63  }
0x2e: {  	_ =	swait.ge @!p0 [sflag:s0], $0x2000  }
0x2f: {  	s1 =	simm.s32 @!p0 $0x280;
	[sflag:s0] =	ssyncset.done @!p0 $0x0  }
0x30: {  	s5 =	simm.s32 @!p0 $0x80;
	s4 =	simm.s32 @!p0 $0x1900;
	[sflag:s0] =	ssyncadd.s32 @!p0 $0xFFFFE000  }
0x31: {  	[tilespmem:s4], [sflag:$0x1] =	stream.indirect.gather @!p0 [hbm4b:s3+s5], $0x40, s1, s5, $0xb8;
	[tilespmem:$0xB900] =	vst v63  }
0x32: {  	_ =	swait.ge [sflag:s21], $0x2000  }
0x33: {  	[sflag:s21] =	ssyncset.done $0x0  }
0x34: {  	s0 =	simm.s32 @!p0 $0x7;
	s6 =	rddreg [dreg:$0x5];
	[sflag:s21] =	ssyncadd.s32 $0xFFFFE000  }
0x35: {  	[hbm4b:s6+s2] =	stream.linear.scatter [tilespmem:s16], [sflag:$0x8], $0x2000, $0x38;
	[tilespmem:$0xB900] =	vst v63  }
0x36: {  	_ =	swait.ge @!p0 [sflag:s0], $0x2000  }
0x37: {  	[sflag:s0] =	ssyncset.done @!p0 $0x0  }
0x38: {  	s1 =	simm.s32 @!p0 $0x300;
	s4 =	simm.s32 @!p0 $0x3900;
	[sflag:s0] =	ssyncadd.s32 @!p0 $0xFFFFE000  }
0x39: {  	[tilespmem:s4], [sflag:$0x2] =	stream.indirect.gather @!p0 [hbm4b:s3+s5], $0x40, s1, s5, $0xb8;
	[tilespmem:$0xB900] =	vst v63  }
0x3a: {  	_ =	swait.ge [sflag:s22], $0x2000  }
0x3b: {  	[sflag:s22] =	ssyncset.done $0x0  }
0x3c: {  	s0 =	simm.s32 @!p0 $0x8;
	[sflag:s22] =	ssyncadd.s32 $0xFFFFE000  }
0x3d: {  	[hbm4b:s10+s2] =	stream.linear.scatter [tilespmem:s17], [sflag:$0x9], $0x2000, $0x38;
	[tilespmem:$0xB900] =	vst v63  }
0x3e: {  	s11 =	simm.s32 $0x1400;
	s31 =	sadd.s32 $0x1400, s24;
	_ =	swait.ge @!p0 [sflag:s0], $0x2000  }
0x3f: {  	p1 =	por $0x0, $0x0;
	s9 =	simm.s32 @!p0 $0x380;
	[sflag:s0] =	ssyncset.done @!p0 $0x0  }
0x40: {  	s15 =	simm.s32 @!p0 $0x5900;
	s4 =	simm.s32 $0xA00;
	[sflag:s0] =	ssyncadd.s32 @!p0 $0xFFFFE000  }
0x41: {  	[tilespmem:s15], [sflag:$0x3] =	stream.indirect.gather @!p0 [hbm4b:s3+s5], $0x40, s9, s5, $0xb8;
	[tilespmem:$0xB900] =	vst v63  }
0x42: {  	s1 =	sadd.s32 $0x1400, s10;
	s0 =	sadd.s32 $0x1400, s6;
	s15 =	sadd.s32 $0x1400, s7  }
0x43: {  	s5 =	sadd.s32 $0x1400, s8;
	s9 =	smov.u32 s24;
	_ =	swait.ge [sflag:s23], $0x2000  }
.LBB2_2:
0x44: {  	s25 =	simm.s32 @!p1 $0x9  }
0x45: {  	[sflag:s23] =	ssyncset.done $0x0;
	s26 =	smov.u32 s11;
	s11 =	sadd.s32 $0xA00, s11  }
0x46: {  	p0 =	sne.s32 s11, $0x6400;
	[sflag:s23] =	ssyncadd.s32 $0xFFFFE000  }
0x47: {  	[hbm4b:s9+s2] =	stream.linear.scatter [tilespmem:s19], [sflag:$0xA], $0x2000, $0x38;
	[tilespmem:$0xB900] =	vst v63  }
0x48: {  	s28 =	sshra.s32 s4, $0x2;
	s9 =	smov.u32 s31;
	_ =	swait.ge @!p1 [sflag:s25], $0x2000  }
0x49: {  	s29 =	sadd.s32 $0x180, s28;
	[sflag:s25] =	ssyncset.done @!p1 $0x0  }
0x4a: {  	[sflag:s25] =	ssyncadd.s32 @!p1 $0xFFFFE000  }
0x4b: {  	[tilespmem:s17], [sflag:$0x4] =	stream.indirect.gather [hbm4b:s3+s12], $0x40, s29, s12, $0xb8;
	[tilespmem:$0xB900] =	vst v63  }
0x4c: {  	_ =	swait.ge [sflag:s18], $0x2000  }
0x4d: {  	s25 =	simm.s32 @!p1 $0xA;
	[sflag:s18] =	ssyncset.done $0x0  }
0x4e: {  	[sflag:s18] =	ssyncadd.s32 $0xFFFFE000  }
0x4f: {  	[hbm4b:s5+s2] =	stream.linear.scatter [tilespmem:s13], [sflag:$0x6], $0x2000, $0x38;
	[tilespmem:$0xB900] =	vst v63  }
0x50: {  	_ =	swait.ge @!p1 [sflag:s25], $0x2000  }
0x51: {  	s28 =	sadd.s32 $0x200, s28;
	[sflag:s25] =	ssyncset.done @!p1 $0x0  }
0x52: {  	[sflag:s25] =	ssyncadd.s32 @!p1 $0xFFFFE000  }
0x53: {  	[tilespmem:s19], [sflag:$0x5] =	stream.indirect.gather [hbm4b:s3+s12], $0x40, s28, s12, $0xb8;
	[tilespmem:$0xB900] =	vst v63  }
0x54: {  	_ =	swait.ge [sflag:s20], $0x2000  }
0x55: {  	p1 =	seq.s32 s4, $0x5A00;
	[sflag:s20] =	ssyncset.done $0x0  }
0x56: {  	s25 =	simm.s32 @!p1 $0x6;
	s4 =	sshra.s32 @!p1 s4, $0x2;
	[sflag:s20] =	ssyncadd.s32 $0xFFFFE000  }
0x57: {  	[hbm4b:s15+s2] =	stream.linear.scatter [tilespmem:s14], [sflag:$0x7], $0x2000, $0x38;
	[tilespmem:$0xB900] =	vst v63  }
0x58: {  	s28 =	sadd.s32 @!p1 $0x280, s4;
	s29 =	sadd.s32 @!p1 $0x300, s4;
	_ =	swait.ge @!p1 [sflag:s25], $0x2000  }
0x59: {  	s6 =	simm.s32 @!p1 $0x80;
	s7 =	simm.s32 @!p1 $0x1900;
	[sflag:s25] =	ssyncset.done @!p1 $0x0  }
0x5a: {  	[sflag:s25] =	ssyncadd.s32 @!p1 $0xFFFFE000;
	s25 =	sadd.s32 @!p1 $0x380, s4;
	s4 =	smov.u32 s26  }
0x5b: {  	[tilespmem:s7], [sflag:$0x1] =	stream.indirect.gather @!p1 [hbm4b:s3+s6], $0x40, s28, s6, $0xb8;
	[tilespmem:$0xB900] =	vst v63  }
0x5c: {  	_ =	swait.ge [sflag:s21], $0x2000  }
0x5d: {  	[sflag:s21] =	ssyncset.done $0x0  }
0x5e: {  	s7 =	simm.s32 @!p1 $0x7;
	[sflag:s21] =	ssyncadd.s32 $0xFFFFE000  }
0x5f: {  	[hbm4b:s0+s2] =	stream.linear.scatter [tilespmem:s16], [sflag:$0x8], $0x2000, $0x38;
	[tilespmem:$0xB900] =	vst v63  }
0x60: {  	_ =	swait.ge @!p1 [sflag:s7], $0x2000  }
0x61: {  	s26 =	simm.s32 @!p1 $0x3900;
	[sflag:s7] =	ssyncset.done @!p1 $0x0  }
0x62: {  	[sflag:s7] =	ssyncadd.s32 @!p1 $0xFFFFE000  }
0x63: {  	[tilespmem:s26], [sflag:$0x2] =	stream.indirect.gather @!p1 [hbm4b:s3+s6], $0x40, s29, s6, $0xb8;
	[tilespmem:$0xB900] =	vst v63  }
0x64: {  	_ =	swait.ge [sflag:s22], $0x2000  }
0x65: {  	[sflag:s22] =	ssyncset.done $0x0  }
0x66: {  	s7 =	simm.s32 @!p1 $0x8;
	[sflag:s22] =	ssyncadd.s32 $0xFFFFE000  }
0x67: {  	[hbm4b:s1+s2] =	stream.linear.scatter [tilespmem:s17], [sflag:$0x9], $0x2000, $0x38;
	[tilespmem:$0xB900] =	vst v63  }
.Ltmp0:
0x68: {  	s1 =	sadd.s32 $0x1400, s1;
	_ =	swait.ge @!p1 [sflag:s7], $0x2000;
	(pc) =	sbr.rel @p0 .LBB2_2-.Ltmp0, $4  }
0x69: {  	s31 =	sadd.s32 $0x1400, s31;
	s26 =	simm.s32 @!p1 $0x5900;
	[sflag:s7] =	ssyncset.done @!p1 $0x0  }
0x6a: {  	s5 =	sadd.s32 $0x1400, s5;
	s15 =	sadd.s32 $0x1400, s15;
	[sflag:s7] =	ssyncadd.s32 @!p1 $0xFFFFE000  }
0x6b: {  	[tilespmem:s26], [sflag:$0x3] =	stream.indirect.gather @!p1 [hbm4b:s3+s6], $0x40, s25, s6, $0xb8;
	[tilespmem:$0xB900] =	vst v63  }
0x6c: {  	s0 =	sadd.s32 $0x1400, s0;
	p1 =	seq.s32 s4, $0x0;
	_ =	swait.ge [sflag:s23], $0x2000  }
0x6d: {  	[sflag:s23] =	ssyncset.done $0x0  }
0x6e: {  	s6 =	simm.s32 @!p1 $0x9;
	[sflag:s23] =	ssyncadd.s32 $0xFFFFE000  }
0x6f: {  	[hbm4b:s9+s2] =	stream.linear.scatter [tilespmem:s19], [sflag:$0xA], $0x2000, $0x38;
	[tilespmem:$0xB900] =	vst v63  }
0x70: {  	_ =	swait.ge @!p1 [sflag:s6], $0x2000  }
0x71: {  	s7 =	sshra.s32 s4, $0x2;
	[sflag:s6] =	ssyncset.done @!p1 $0x0  }
0x72: {  	s9 =	sadd.s32 $0x180, s7;
	[sflag:s6] =	ssyncadd.s32 @!p1 $0xFFFFE000  }
0x73: {  	[tilespmem:s17], [sflag:$0x4] =	stream.indirect.gather [hbm4b:s3+s12], $0x40, s9, s12, $0xb8;
	[tilespmem:$0xB900] =	vst v63  }
0x74: {  	_ =	swait.ge [sflag:s18], $0x2000  }
0x75: {  	[sflag:s18] =	ssyncset.done $0x0  }
0x76: {  	[sflag:s18] =	ssyncadd.s32 $0xFFFFE000  }
0x77: {  	[hbm4b:s5+s2] =	stream.linear.scatter [tilespmem:s13], [sflag:$0x6], $0x2000, $0x38;
	[tilespmem:$0xB900] =	vst v63  }
0x78: {  	s5 =	simm.s32 @!p1 $0xA  }
0x79: {  	_ =	swait.ge @!p1 [sflag:s5], $0x2000  }
0x7a: {  	[sflag:s5] =	ssyncset.done @!p1 $0x0  }
0x7b: {  	s11 =	sadd.s32 $0x200, s7;
	[sflag:s5] =	ssyncadd.s32 @!p1 $0xFFFFE000  }
0x7c: {  	[tilespmem:s19], [sflag:$0x5] =	stream.indirect.gather [hbm4b:s3+s12], $0x40, s11, s12, $0xb8;
	[tilespmem:$0xB900] =	vst v63  }
0x7d: {  	_ =	swait.ge [sflag:s20], $0x2000  }
0x7e: {  	p0 =	seq.s32 s4, $0x5A00;
	[sflag:s20] =	ssyncset.done $0x0  }
0x7f: {  	s5 =	simm.s32 @!p0 $0x6;
	[sflag:s20] =	ssyncadd.s32 $0xFFFFE000  }
0x80: {  	[hbm4b:s15+s2] =	stream.linear.scatter [tilespmem:s14], [sflag:$0x7], $0x2000, $0x38;
	[tilespmem:$0xB900] =	vst v63  }
0x81: {  	_ =	swait.ge @!p0 [sflag:s5], $0x2000  }
0x82: {  	s4 =	sshra.s32 @!p0 s4, $0x2;
	s7 =	simm.s32 @!p0 $0x80;
	[sflag:s5] =	ssyncset.done @!p0 $0x0  }
0x83: {  	s6 =	sadd.s32 @!p0 $0x280, s4;
	[sflag:s5] =	ssyncadd.s32 @!p0 $0xFFFFE000;
	s5 =	simm.s32 @!p0 $0x1900  }
0x84: {  	[tilespmem:s5], [sflag:$0x1] =	stream.indirect.gather @!p0 [hbm4b:s3+s7], $0x40, s6, s7, $0xb8;
	[tilespmem:$0xB900] =	vst v63  }
0x85: {  	_ =	swait.ge [sflag:s21], $0x2000  }
0x86: {  	[sflag:s21] =	ssyncset.done $0x0  }
0x87: {  	s5 =	simm.s32 @!p0 $0x7;
	[sflag:s21] =	ssyncadd.s32 $0xFFFFE000  }
0x88: {  	[hbm4b:s0+s2] =	stream.linear.scatter [tilespmem:s16], [sflag:$0x8], $0x2000, $0x38;
	[tilespmem:$0xB900] =	vst v63  }
0x89: {  	_ =	swait.ge @!p0 [sflag:s5], $0x2000  }
0x8a: {  	[sflag:s5] =	ssyncset.done @!p0 $0x0  }
0x8b: {  	s0 =	sadd.s32 @!p0 $0x300, s4;
	[sflag:s5] =	ssyncadd.s32 @!p0 $0xFFFFE000;
	s5 =	simm.s32 @!p0 $0x3900  }
0x8c: {  	[tilespmem:s5], [sflag:$0x2] =	stream.indirect.gather @!p0 [hbm4b:s3+s7], $0x40, s0, s7, $0xb8;
	[tilespmem:$0xB900] =	vst v63  }
0x8d: {  	_ =	swait.ge [sflag:s22], $0x2000  }
0x8e: {  	[sflag:s22] =	ssyncset.done $0x0  }
0x8f: {  	s0 =	simm.s32 @!p0 $0x8;
	[sflag:s22] =	ssyncadd.s32 $0xFFFFE000  }
0x90: {  	[hbm4b:s1+s2] =	stream.linear.scatter [tilespmem:s17], [sflag:$0x9], $0x2000, $0x38;
	[tilespmem:$0xB900] =	vst v63  }
0x91: {  	_ =	swait.ge @!p0 [sflag:s0], $0x2000  }
0x92: {  	[sflag:s0] =	ssyncset.done @!p0 $0x0  }
0x93: {  	s1 =	sadd.s32 @!p0 $0x380, s4;
	[sflag:s0] =	ssyncadd.s32 @!p0 $0xFFFFE000;
	s0 =	simm.s32 @!p0 $0x5900  }
0x94: {  	[tilespmem:s0], [sflag:$0x3] =	stream.indirect.gather @!p0 [hbm4b:s3+s7], $0x40, s1, s7, $0xb8;
	[tilespmem:$0xB900] =	vst v63  }
0x95: {  	_ =	swait.ge [sflag:s23], $0x2000  }
0x96: {  	[sflag:s23] =	ssyncset.done $0x0  }
0x97: {  	s15 =	simm.s32 $0x6;
	[sflag:s23] =	ssyncadd.s32 $0xFFFFE000  }
0x98: {  	[hbm4b:s31+s2] =	stream.linear.scatter [tilespmem:s19], [sflag:$0xA], $0x2000, $0x38;
	[tilespmem:$0xB900] =	vst v63  }
0x99: {  	_ =	swait.ge [sflag:s15], $0x2000  }
0x9a: {  	[sflag:s15] =	ssyncset.done $0x0  }
0x9b: {  	s25 =	simm.s32 $0x7;
	[sflag:s15] =	ssyncadd.s32 $0xFFFFE000  }
0x9c: {  	_ =	swait.ge [sflag:s25], $0x2000  }
0x9d: {  	[sflag:s25] =	ssyncset.done $0x0  }
0x9e: {  	s26 =	simm.s32 $0x8;
	[sflag:s25] =	ssyncadd.s32 $0xFFFFE000  }
0x9f: {  	_ =	swait.ge [sflag:s26], $0x2000  }
0xa0: {  	[sflag:s26] =	ssyncset.done $0x0  }
0xa1: {  	s28 =	simm.s32 $0x9;
	[sflag:s26] =	ssyncadd.s32 $0xFFFFE000  }
0xa2: {  	_ =	swait.ge [sflag:s28], $0x2000  }
0xa3: {  	[sflag:s28] =	ssyncset.done $0x0  }
0xa4: {  	s29 =	simm.s32 $0xA;
	[sflag:s28] =	ssyncadd.s32 $0xFFFFE000  }
0xa5: {  	_ =	swait.ge [sflag:s29], $0x2000  }
0xa6: {  	s30 =	sadd.s32 $0x1, s30;
	s31 =	rddreg [dreg:$0x4]  }
0xa7: {  	p0 =	sne.s32 s30, s31  }
.Ltmp1:
0xa8: {  	_ = 	snop;
	(pc) =	sbr.rel @p0 .LBB2_1-.Ltmp1, $3  }
0xa9: {  	_ =	sdelay $0x1  }
0xaa: {  	[sflag:s29] =	ssyncset.done $0x0  }
0xab: {  	[sflag:s29] =	ssyncadd.s32 $0xFFFFE000  }
0xac: {  	_ =	sfence.sel $0x180000  }
0xad: {  	[bflag:$0x0] =	sbarrier.arrive $0xFFFF  }
0xae: {  	_ =	strace $0x90000047  }
0xaf: {  	s0 =	stileid.u32;
	[bflag:$0x2] =	sbarrier.arrive $0xFFFF  }
0xb0: {  	p0 =	sne.s32 s0, $0x0;
	s0 =	rddreg [dreg:$0x2]  }
0xb1: {  	s0 =	sadd.s32 @!p0 $0x100000, s0  }
0xb2: {  	[sflag:s0] =	ssyncadd.tile.s32 @!p0 $0x1;
	_ =	shalt  }
.Lfunc_end2:
_tile_overlayer_lowered:
.L_overlay_start_2:
0xb3: {  	(tag) =	ssettag $0x2  }
0xb4: {  	s0 =	rddreg [dreg:$0x0];
	s2 =	stileid.u32  }
0xb5: {  	s1 =	rddreg [dreg:$0x1];
	p0 =	sne.s32 s2, $0x0  }
0xb6: {  	s3 =	rddreg [dreg:$0x2];
	[bflag:$0x3] =	sbarrier.arrive $0xFFFF;
	s2 =	simm.s32 @!p0 $0x1C0B  }
0xb7: {  	[timem:s3], [sflag:s2] =	dma.local @!p0 [hbm:s0], s1  }
0xb8: {  	s0 =	simm.s32 @!p0 $0xB  }
0xb9: {  	_ =	swait.ge @!p0 [sflag:s0], s1  }
0xba: {  	s1 =	ssub.s32 @!p0 $0x0, s1;
	[sflag:s0] =	ssyncset.done @!p0 $0x0  }
0xbb: {  	[sflag:s0] =	ssyncadd.s32 @!p0 s1  }
0xbc: {  	[bflag:$0x3] =	sbarrier.arrive $0xFFFF  }
0xbd: {  	_ =	shalt  }

// kernel: sparse-core-data-format-call.cloned.1.call-start
scs
called_computation_lowered:
.L_overlay_start_0:
0x0: {  	s2 =	sld [smem:$0x3FD9]  }
0x1: {  	s3 =	sld [smem:$0x3FFE];
	_ =	sdelay $0x1  }
0x2: {  	s1 =	srdreg.scid  }
0x3: {  	s0 =	sand.u32 $0x1, s1  }
0x4: {  	s18 =	sshll.u32 s0, $0xA;
	s2 =	sadd.s32 s3, s2  }
0x5: {  	s2 =	sadd.s32 s2, s18  }
0x6: {  	[smem:$0x3FC6] =	sst s2  }
0x7: {  	_ = 	snop  }
0x8: {  	s2 =	sld [smem:$0x3FD0];
	(tm) =	ssettm $0x1  }
0x9: {  	s19 =	sld [smem:$0x3FFB];
	_ =	sdelay $0x3  }
0xa: {  	_ =	strace s19  }
0xb: {  	s3 =	sld [smem:$0x3FFC];
	_ =	sdelay $0x3  }
0xc: {  	_ =	strace s3  }
0xd: {  	s3 =	sld [smem:$0x3FFD];
	_ =	sdelay $0x3  }
0xe: {  	_ =	strace s3  }
0xf: {  	_ =	strace $0x8FFFFFFF  }
0x10: {  	s20 =	sld [smem:$0x3FDB];
	_ =	sdelay $0x1  }
0x11: {  	s4 =	simm.s32 $_scs_section_size  }
0x12: {  	s5 =	simm.s32 $_size__tile_overlayer_lowered;
	s6 =	simm.s32 $_tile_overlayer_lowered  }
0x13: {  	s23 =	simm.s32 $0x1BFF;
	s22 =	sshll.u32 s6, $0x1;
	s3 =	sadd.s32 s4, s20  }
0x14: {  	s7 =	simm.s32 $0x0;
	s21 =	sshll.u32 s5, $0x1;
	s5 =	sadd.s32 s22, s3  }
0x15: {  	[timem:s7], [sflag:s23] =	dma.local [hbm:s5], s21  }
0x16: {  	_ =	swait.ge [sflag:s23], s21  }
0x17: {  	s4 =	ssub.s32 $0x0, s21;
	[sflag:s23] =	ssyncset.done $0x0  }
0x18: {  	[sflag:s23] =	ssyncadd.s32 s4;
	_ =	sdelay $0x1  }
0x19: {  	s24 =	simm.s32 $0x1B8B  }
0x1a: {  	_ =	swait.ge [sflag:s24], $0x1  }
0x1b: {  	[sflag:s24] =	ssyncset.done $0x0  }
0x1c: {  	s26 =	simm.s32 $0x1B8E;
	s25 =	sld [smem:$0x3FFE];
	[sflag:s24] =	ssyncadd.s32 $0xFFFFFFFF  }
0x1d: {  	s27 =	simm.s32 $execute0_lowered;
	[smem:$0x3FD2] =	sst s26  }
0x1e: {  	s5 =	sshll.u32 s27, $0x1;
	_ =	strace $0x80000049;
	[dreg:$0x1] =	wrdreg $0xFFFFFFFF  }
0x1f: {  	s28 =	simm.s32 $_size_execute0_lowered;
	s3 =	sadd.s32 s3, s5;
	[dreg:$0x0] =	wrdreg $0x0  }
0x20: {  	s5 =	sshll.u32 s28, $0x1;
	[dreg:$0x2] =	wrdreg s3  }
0x21: {  	[dreg:$0x3] =	wrdreg s5  }
0x22: {  	[dreg:$0x4] =	wrdreg $0xC0  }
0x23: {  	_ =	task [dreg:s7], $0x5FFFF  }
0x24: {  	[dreg:$0x1] =	wrdreg $0xFFFFFFFF  }
0x25: {  	[dreg:$0x0] =	wrdreg $0x60  }
0x26: {  	[dreg:$0x2] =	wrdreg s25  }
0x27: {  	[dreg:$0x3] =	wrdreg s2  }
0x28: {  	[dreg:$0x4] =	wrdreg $0x9  }
0x29: {  	_ =	task.clear_ibuf [dreg:s7], $0x5FFFF;
	_ =	strace $0x90000049  }
0x2a: {  	s29 =	simm.s32 $0x9;
	_ =	strace $0x8000004B  }
0x2b: {  	_ =	swait.ge [sflag:s29], $0x1  }
0x2c: {  	[sflag:s29] =	ssyncadd.s32 $0xFFFFFFFF  }
0x2d: {  	_ =	strace $0x9000004B  }
0x2e: {  	_ =	sfence  }
0x2f: {  	s30 =	sld [smem:$0x0];
	_ =	sdelay $0x2  }
0x30: {  	s31 =	sshll.u32 s1, $0xD;
	s1 =	sshrl.u32 s1, $0x2  }
0x31: {  	s3 =	sand.u32 $0x4000, s31;
	s1 =	sadd.s32 s1, s30  }
0x32: {  	s0 =	sor.u32 s3, s0;
	s1 =	sshll.u32 s1, $0x11  }
0x33: {  	s0 =	sor.u32 s1, s0  }
0x34: {  	s0 =	sadd.s32 $0x8F2B, s0  }
0x35: {  	[sflag:s0] =	ssyncadd.remote.s32 $0x1  }
0x36: {  	_ =	sfence.sel $0xFFFF  }
0x37: {  	[dreg:$0x0] =	wrdreg $0xFFFFFFFF;
	(pc) =	sbr.abs _section_cstart, $3  }
0x38: {  	[dreg:$0x1] =	wrdreg $0xFFFFFFFF  }
0x39: {  	_ =	task.clear_ibuf [dreg:s7], $0x2FFFF;
	_ =	strace $0x9FFFFFFF  }
0x3a: {  	(tm) =	ssettm $0x7FFFFFFF  }
0x3b: {  	_ =	shalt  }
tec
execute0_lowered:
.L_overlay_start_1:
0x0: {  	(tag) =	ssettag $0x1  }
0x1: {  	s0 =	srdreg.scid  }
0x2: {  	s1 =	sshll.u32 s0, $0x4  }
0x3: {  	s0 =	stileid.u32;
	s1 =	sand.u32 $0x10, s1  }
0x4: {  	s1 =	sor.u32 s0, s1  }
0x5: {  	s6 =	rddreg [dreg:$0x0];
	s4 =	simm.s32 $0x1;
	s2 =	sshll.u32 s1, $0x7  }
0x6: {  	s7 =	simm.s32 $0x2;
	s12 =	simm.s32 $0x0;
	s1 =	ssub.s32 $0x1000, s2  }
0x7: {  	s8 =	simm.s32 $0x8000;
	s13 =	simm.s32 $0x0;
	s3 =	sand.u32 $0xF80, s1  }
0x8: {  	s9 =	simm.s32 $0x0;
	s5 =	sshrl.u32 s1, $0xC;
	p0 =	sne.s32 s3, $0x0  }
.Ltmp0:
0x9: {  	s1 =	rddreg [dreg:$0x2];
	s4 =	simm.s32 @!p0 $0x0;
	(pc) =	sbr.rel .LBB1_1-.Ltmp0, $4  }
0xa: {  	s11 =	simm.s32 $0x0;
	s3 =	rddreg [dreg:$0x1];
	s5 =	sadd.s32 s4, s5  }
0xb: {  	_ =	strace $0x8000004A;
	s4 =	simm.s32 $0x1;
	s5 =	smul.u32 $0x32, s5  }
0xc: {  	s6 =	sadd.s32 $0xA00, s6;
	s10 =	smov.u32 s2;
	[sflag:s4] =	ssyncpa.u1 $0x0  }
0xd: {  	p0 =	por $0x0, $0x0;
	[sflag:s7] =	ssyncpa.u1 $0x0;
	s7 =	sor.u32 $0x1, s5  }
.LBB1_4:
0xe: {  	s16 =	sshll.u32 s13, $0x3;
	s17 =	sand.u32 $0x78, s13  }
0xf: {  	s30 =	sand.u32 $0x7E00, s13;
	s12 =	sshll.u32 s12, $0xF;
	s16 =	sand.u32 $0xC00, s16  }
0x10: {  	[tilespmem:s15+$0x810 ss:$0x81] =	vst.msk $0xffff, v2;
	s31 =	sand.u32 $0x7, s13;
	s16 =	sor.u32 s17, s16;
	s17 =	sadd.s32 s3, s30  }
0x11: {  	[tilespmem:s15+$0x1020 ss:$0x81] =	vst.msk $0xffff, v0;
	s13 =	sshll.u32 s31, $0x12;
	s12 =	sadd.s32 s12, s17;
	s16 =	sshrl.u32 s16, $0x3  }
0x12: {  	[tilespmem:s15+$0x0 ss:$0x81] =	vst.msk $0xffff, v1;
	s13 =	sor.u32 $0x400, s13;
	s12 =	sadd.s32 s16, s12  }
0x13: {  	[hbm4b:s12+s13] =	stream.strided.scatter [tilespmem:s14], [sflag:$0x2], $0x2000, s8, s13, $0x20;
	[tilespmem:$0x8080] =	vst v63  }
.LBB1_5:
0x14: {  	s14 =	sadd.s32 $0x1, s9  }
0x15: {  	s12 =	sadd.s32 $0x1000, s10;
	s16 =	smov.u32 s10;
	p2 =	sgt.s32 s14, $0x31  }
0x16: {  	s16 =	smov.u32 @p2 s12  }
0x17: {  	s14 =	simm.s32 @p2 $0x0;
	p2 =	sgt.s32 s16, $0xFFF  }
0x18: {  	s16 =	smov.u32 @p2 s2;
	p2 =	sne.s32 s11, s7  }
.Ltmp1:
0x19: {  	p1 =	slt.u32 s11, $0x2;
	(pc) =	sbr.rel @!p2 .LBB1_6-.Ltmp1, $4  }
0x1a: {  	s15 =	simm.s32 @!p1 $0x2  }
0x1b: {  	s13 =	smov.u32 s10;
	p0 =	por !p0, !p0;
	_ =	swait.ge @!p1 [sflag:s15], $0x2000  }
0x1c: {  	s12 =	smov.u32 s9;
	[sflag:s15] =	ssyncset.done @!p1 $0x0;
	s9 =	smov.u32 s14  }
0x1d: {  	s11 =	sadd.s32 $0x1, s11;
	[sflag:s15] =	ssyncadd.s32 @!p1 $0xFFFFE000;
	s10 =	smov.u32 s16  }
.LBB1_1:
0x1e: {  	p1 =	sge.u32 s11, s5  }
0x1f: {  	s14 =	sand.u32 @!p1 $0x1FFFFFF, s9  }
0x20: {  	s15 =	smulhi.u32 @!p1 $0x4924925, s14;
	_ =	sdelay $0x1  }
0x21: {  	s15 =	smul.u32 @!p1 $0x38, s15  }
0x22: {  	s16 =	sxor.u32 @!p1 $0xFFFFFFFF, s11;
	s17 =	smul.u32 @!p1 $0x380, s10  }
0x23: {  	s31 =	sadd.s32 $0xFFFFFFFF, s11;
	s16 =	sshll.u32 @!p1 s16, $0xD;
	s14 =	ssub.s32 @!p1 s14, s15  }
0x24: {  	s15 =	sand.u32 @!p1 $0x2000, s16;
	s16 =	sadd.s32 @!p1 s6, s17;
	s14 =	sshll.u32 @!p1 s14, $0x4  }
0x25: {  	s17 =	simm.s32 @!p1 $0x1C00;
	s14 =	sadd.s32 @!p1 s14, s16;
	s16 =	simm.s32 @!p1 $0x40  }
0x26: {  	[tilespmem:s15], [sflag:$0x1] =	stream.strided.gather @!p1 [hbm4b:s14+s16], $0x2000, s17, s16, $0x38;
	[tilespmem:$0x8080] =	vst v63  }
0x27: {  	p1 =	sge.u32 s31, s5  }
.Ltmp2:
0x28: {  	_ = 	snop;
	(pc) =	sbr.rel @p1 .LBB1_5-.Ltmp2, $1  }
0x29: {  	_ =	sdelay $0x3  }
0x2a: {  	s14 =	simm.s32 $0x1  }
0x2b: {  	_ =	swait.ge [sflag:s4], $0x2000;
	s14 =	simm.s32 @!p0 $0x0  }
0x2c: {  	[sflag:s4] =	ssyncset.done $0x0;
	s15 =	sshll.u32 s14, $0xD  }
0x2d: {  	[sflag:s4] =	ssyncadd.s32 $0xFFFFE000;
	s18 =	sor.u32 $0x20, s15  }
0x2e: {  	s14 =	smul.u32 $0x8100, s14;
	v3 =	vld [tilespmem:s18+$0x10]  }
0x2f: {  	s30 =	sand.u32 $0x1, s11;
	v2 =	vld [tilespmem:s18+$0xFFFFFFF0]  }
0x30: {  	s15 =	smul.u32 $0x8100, s30;
	s14 =	sshrl.u32 s14, $0x2;
	v0 =	vld [tilespmem:s18+$0x0]  }
0x31: {  	v1 =	vld [tilespmem:s18+$0xFFFFFFE0];
	s16 =	sor.u32 $0x4000, s14  }
0x32: {  	s31 =	sshrl.u32 s15, $0x2;
	s15 =	sadd.s32 $0x0, s16  }
0x33: {  	s17 =	simm.s32 $0x4;
	s18 =	sadd.s32 $0x40, s18;
	s14 =	sor.u32 $0x4000, s31;
	[tilespmem:s15+$0x1830 ss:$0x81] =	vst.msk $0xffff, v3  }
.LBB1_3:
0x34: {  	v3 =	vld [tilespmem:s18+$0x10];
	p1 =	sne.s32 s17, $0x1FC;
	[tilespmem:s15+$0x810 ss:$0x81] =	vst.msk $0xffff, v2;
	s19 =	smov.u32 s17;
	s17 =	sadd.s32 $0x4, s17  }
.Ltmp3:
0x35: {  	v2 =	vld [tilespmem:s18+$0xFFFFFFF0];
	[tilespmem:s15+$0x1020 ss:$0x81] =	vst.msk $0xffff, v0;
	(pc) =	sbr.rel @p1 .LBB1_3-.Ltmp3, $4  }
0x36: {  	v0 =	vld [tilespmem:s18+$0x0];
	[tilespmem:s15+$0x0 ss:$0x81] =	vst.msk $0xffff, v1  }
0x37: {  	s15 =	sshra.s32 s19, $0x2;
	v1 =	vld [tilespmem:s18+$0xFFFFFFE0]  }
0x38: {  	s15 =	sadd.s32 s15, s16  }
0x39: {  	s18 =	sadd.s32 $0x40, s18;
	[tilespmem:s15+$0x1830 ss:$0x81] =	vst.msk $0xffff, v3  }
.Ltmp4:
0x3a: {  	_ = 	snop;
	(pc) =	sbr.rel .LBB1_4-.Ltmp4, $1  }
0x3b: {  	_ =	sdelay $0x3  }
.LBB1_6:
0x3c: {  	_ =	sfence.sel $0x180000  }
0x3d: {  	s2 =	simm.s32 $0x1;
	[bflag:$0x0] =	sbarrier.arrive $0xFFFF  }
0x3e: {  	s31 =	simm.s32 $0x2;
	[sflag:s2] =	ssyncpa.u1 $0x1  }
0x3f: {  	[sflag:s31] =	ssyncpa.u1 $0x1  }
0x40: {  	p0 =	sne.s32 s0, $0x0;
	_ =	strace $0x9000004A  }
0x41: {  	s0 =	sadd.s32 @!p0 $0x100000, s1;
	[bflag:$0x2] =	sbarrier.arrive $0xFFFF  }
0x42: {  	[sflag:s0] =	ssyncadd.tile.s32 @!p0 $0x1;
	_ =	shalt  }
.Lfunc_end1:
_tile_overlayer_lowered:
.L_overlay_start_2:
0x43: {  	(tag) =	ssettag $0x2  }
0x44: {  	s0 =	rddreg [dreg:$0x0];
	s2 =	stileid.u32  }
0x45: {  	s1 =	rddreg [dreg:$0x1];
	p0 =	sne.s32 s2, $0x0  }
0x46: {  	s3 =	rddreg [dreg:$0x2];
	[bflag:$0x3] =	sbarrier.arrive $0xFFFF;
	s2 =	simm.s32 @!p0 $0x1C01  }
0x47: {  	[timem:s3], [sflag:s2] =	dma.local @!p0 [hbm:s0], s1  }
0x48: {  	s0 =	simm.s32 @!p0 $0x1  }
0x49: {  	_ =	swait.ge @!p0 [sflag:s0], s1  }
0x4a: {  	s1 =	ssub.s32 @!p0 $0x0, s1;
	[sflag:s0] =	ssyncset.done @!p0 $0x0  }
0x4b: {  	[sflag:s0] =	ssyncadd.s32 @!p0 s1  }
0x4c: {  	[bflag:$0x3] =	sbarrier.arrive $0xFFFF  }
0x4d: {  	_ =	shalt  }

</sc_bundles>
